<compile_context>
chip_gen: v7x
topology: tpu7x:2x2x1
jax: 0.10.2.dev20260603
libtpu: 0.0.44.dev20260713+nightly
codegen_flags: <defaults>
</compile_context>

<pallas_src>
import functools

import jax
import jax.numpy as jnp
from jax import lax
from jax.experimental import pallas as pl
from jax.experimental.pallas import tpu as pltpu
from jax.experimental.pallas import tpu_sc as plsc

NC = 2
NS = 16
LANES = 16
CHUNK = 128


def _sc_aggregate(hl, src_r, dst_r, n_pad, with_deg):
    num_chunks = src_r.shape[1]
    d = hl.shape[1]
    rpt = n_pad // NS
    nz = rpt // CHUNK

    out_type = [jax.ShapeDtypeStruct((NC, n_pad, d), jnp.float32)]
    scratch = [
        pltpu.VMEM((num_chunks, CHUNK), jnp.int32),
        pltpu.VMEM((num_chunks, CHUNK), jnp.int32),
        pltpu.VMEM((CHUNK, d), jnp.float32),
        pltpu.VMEM_SHARED((n_pad, d), jnp.float32),
        pltpu.SemaphoreType.DMA,
    ]
    if with_deg:
        out_type.append(jax.ShapeDtypeStruct((NC, n_pad, LANES), jnp.float32))
        scratch += [
            pltpu.VMEM((CHUNK, LANES), jnp.float32),
            pltpu.VMEM_SHARED((n_pad, LANES), jnp.float32),
        ]

    mesh = plsc.VectorSubcoreMesh(core_axis_name="c", subcore_axis_name="s")

    def body(hl_hbm, src_hbm, dst_hbm, agg_out, *rest):
        if with_deg:
            deg_out, src_v, dst_v, rows_v, agg_sh, sem, ones_v, deg_sh = rest
        else:
            src_v, dst_v, rows_v, agg_sh, sem = rest
        c = lax.axis_index("c")
        s = lax.axis_index("s")
        wid = s * NC + c
        pltpu.sync_copy(src_hbm.at[wid], src_v)
        pltpu.sync_copy(dst_hbm.at[wid], dst_v)

        zero16 = jnp.zeros((LANES,), jnp.float32)
        base = s * rpt

        def _zero_rows(i, carry):
            for k in range(d // LANES):
                rows_v[i, pl.ds(k * LANES, LANES)] = zero16
            return carry

        lax.fori_loop(0, CHUNK, _zero_rows, 0)
        for q in range(nz):
            pltpu.sync_copy(rows_v, agg_sh.at[pl.ds(base + q * CHUNK, CHUNK)])

        if with_deg:
            def _zero_ones(i, carry):
                ones_v[i] = zero16
                return carry

            lax.fori_loop(0, CHUNK, _zero_ones, 0)
            for q in range(nz):
                pltpu.sync_copy(ones_v, deg_sh.at[pl.ds(base + q * CHUNK, CHUNK)])

            one16 = jnp.ones((LANES,), jnp.float32)

            def _fill_ones(i, carry):
                ones_v[i] = one16
                return carry

            lax.fori_loop(0, CHUNK, _fill_ones, 0)

        plsc.subcore_barrier()

        def _edge_chunk(j, carry):
            pltpu.async_copy(hl_hbm.at[src_v.at[j]], rows_v, sem).wait()
            pltpu.sync_copy(rows_v, agg_sh.at[dst_v.at[j]], add=True)
            if with_deg:
                pltpu.sync_copy(ones_v, deg_sh.at[dst_v.at[j]], add=True)
            return carry

        lax.fori_loop(0, num_chunks, _edge_chunk, 0)
        plsc.subcore_barrier()

        pltpu.sync_copy(agg_sh.at[pl.ds(base, rpt)],
                        agg_out.at[c, pl.ds(base, rpt)])
        if with_deg:
            pltpu.sync_copy(deg_sh.at[pl.ds(base, rpt)],
                            deg_out.at[c, pl.ds(base, rpt)])

    fn = pl.kernel(body, out_type=out_type, mesh=mesh, scratch_types=scratch,
                   compiler_params=pltpu.CompilerParams(
                       use_tc_tiling_on_sc=False))
    return fn(hl, src_r, dst_r)


def _tc_linear1(h, w, b):
    def body(h_ref, w_ref, b_ref, o_ref):
        o_ref[...] = (
            jnp.dot(h_ref[...], w_ref[...], preferred_element_type=jnp.float32)
            + b_ref[...]
        )

    return pl.pallas_call(
        body,
        out_shape=jax.ShapeDtypeStruct((h.shape[0], w.shape[1]), jnp.float32),
    )(h, w, b.reshape(1, -1))


def _tc_linear2(hl, p, d0, d1, w, b, gnn):
    def body(hl_ref, p_ref, d0_ref, d1_ref, w_ref, b_ref, o_ref):
        deg = jnp.maximum(d0_ref[...] + d1_ref[...], 1.0)
        a = jnp.maximum(hl_ref[...], 0.0)
        g = jnp.maximum((p_ref[0] + p_ref[1]) / deg, 0.0)
        wv = w_ref[...]
        o_ref[...] = (
            jnp.dot(a, wv[:gnn], preferred_element_type=jnp.float32)
            + jnp.dot(g, wv[gnn:], preferred_element_type=jnp.float32)
            + b_ref[...]
        )

    return pl.pallas_call(
        body,
        out_shape=jax.ShapeDtypeStruct((hl.shape[0], w.shape[1]), jnp.float32),
    )(hl, p, d0, d1, w, b.reshape(1, -1))


def _tc_head(hl3, p3, d3, w1r, b1, w2, b2, wmu, bmu, act2, log_std,
             gnn, phases):
    ag = hl3.shape[0]
    adim = wmu.shape[1]

    def body(hl_ref, p_ref, d_ref, w1_ref, b1_ref, w2_ref, b2_ref,
             wmu_ref, bmu_ref, act_ref, ls_ref, mu_ref, lp_ref):
        acc = jnp.zeros((ag, w2_ref.shape[0]), jnp.float32)
        for p in range(phases):
            deg = jnp.maximum(d_ref[:, p, 0:1] + d_ref[:, p, 1:2], 1.0)
            a_p = jnp.maximum(hl_ref[:, p, :], 0.0)
            g_p = jnp.maximum((p_ref[0, :, p, :] + p_ref[1, :, p, :]) / deg,
                              0.0)
            acc = acc + jnp.dot(a_p, w1_ref[p, :gnn],
                                preferred_element_type=jnp.float32)
            acc = acc + jnp.dot(g_p, w1_ref[p, gnn:],
                                preferred_element_type=jnp.float32)
        x = jnp.tanh(acc + b1_ref[...])
        x = jnp.tanh(jnp.dot(x, w2_ref[...],
                             preferred_element_type=jnp.float32) + b2_ref[...])
        mu = jnp.dot(x, wmu_ref[...],
                     preferred_element_type=jnp.float32) + bmu_ref[...]
        ls = ls_ref[...]
        z = (act_ref[...] - mu) * jnp.exp(-ls)
        lp = jnp.sum(-0.5 * z * z - ls - 0.5 * jnp.log(2.0 * jnp.pi),
                     axis=1, keepdims=True)
        mu_ref[...] = mu
        lp_ref[...] = lp

    return pl.pallas_call(
        body,
        out_shape=(
            jax.ShapeDtypeStruct((ag, adim), jnp.float32),
            jax.ShapeDtypeStruct((ag, 1), jnp.float32),
        ),
    )(hl3, p3, d3, w1r, b1.reshape(1, -1), w2, b2.reshape(1, -1),
      wmu, bmu.reshape(1, -1), act2, log_std.reshape(1, -1))


def kernel(obs, edge_index, act, W1, b1, W2, b2, Wm1, bm1, Wm2, bm2,
           Wmu, bmu, log_std):
    steps, nodes_per_step, feats = obs.shape
    n = steps * nodes_per_step
    gnn = W1.shape[1]
    e = edge_index.shape[1]
    phases = Wm1.shape[0] // (2 * gnn)
    ag = n // phases
    adim = Wmu.shape[1]
    nw = NC * NS

    ep = -(-e // (nw * CHUNK)) * (nw * CHUNK)
    n_pad = -(-n // (NS * CHUNK)) * (NS * CHUNK)
    if n_pad == n and ep > e:
        n_pad += NS * CHUNK
    src = edge_index[0]
    dst = edge_index[1]
    if ep > e:
        src = jnp.concatenate([src, jnp.zeros((ep - e,), jnp.int32)])
        dst = jnp.concatenate([dst, jnp.full((ep - e,), n, jnp.int32)])
    src_r = src.reshape(nw, -1, CHUNK)
    dst_r = dst.reshape(nw, -1, CHUNK)

    h = obs.reshape(n, feats)
    hl1 = _tc_linear1(h, W1, b1)
    agg1, deg = _sc_aggregate(hl1, src_r, dst_r, n_pad, True)
    d0 = deg[0, :n, 0:1]
    d1 = deg[1, :n, 0:1]
    hl2 = _tc_linear2(hl1, agg1[:, :n], d0, d1, W2, b2, gnn)
    (agg2,) = _sc_aggregate(hl2, src_r, dst_r, n_pad, False)

    hl3 = hl2.reshape(ag, phases, gnn)
    p3 = agg2[:, :n].reshape(NC, ag, phases, gnn)
    d3 = jnp.concatenate([d0, d1], axis=1).reshape(ag, phases, 2)
    w1r = Wm1.reshape(phases, 2 * gnn, Wm1.shape[1])
    act2 = act.reshape(ag, adim)
    mu, logp = _tc_head(hl3, p3, d3, w1r, bm1, Wm2, bm2, Wmu, bmu, act2,
                        log_std, gnn, phases)
    return (mu.reshape(act.shape), logp.reshape(act.shape[:-1]))

# --- scband reference (transcript-rebuilt; emitter-appended) ---
"""Pipeline reference for scband-gnngaussian-actor-42700564857464 (READ-ONLY COPY).

The authoritative reference and input builder live on the scoring server;
editing this copy changes nothing except your own understanding.
"""

import jax, jax.numpy as jnp
import numpy as np

STEPS = 10
NODES_PER_STEP = 1000  # num_cpu(5) * agents(25) * phases(8)
N = STEPS * NODES_PER_STEP  # 10000 total graph nodes
E = 320000
FEATURES = 128
PHASES = 8
GNN = 64
MLP = 256
ACT_DIM = 8
NCPU = 5
AGENTS = 25


def setup_inputs(seed: int = 0) -> dict:
    key = jax.random.key(seed)
    ks = jax.random.split(key, 16)
    obs = jax.random.normal(ks[0], (STEPS, NODES_PER_STEP, FEATURES), dtype=jnp.float32)
    edge_index = jax.random.randint(ks[1], (2, E), 0, N, dtype=jnp.int32)
    act = jax.random.normal(ks[2], (STEPS, NCPU, AGENTS, ACT_DIM), dtype=jnp.float32)
    # GNN layer 1: in 128 -> 64, output concat -> 128
    W1 = jax.random.normal(ks[3], (FEATURES, GNN), dtype=jnp.float32) * 0.05
    b1 = jnp.zeros((GNN,), dtype=jnp.float32)
    # GNN layer 2: in 128 (=2*64) -> 64, output concat -> 128
    W2 = jax.random.normal(ks[4], (2 * GNN, GNN), dtype=jnp.float32) * 0.05
    b2 = jnp.zeros((GNN,), dtype=jnp.float32)
    # MLP actor: obs_dim = 2*GNN*PHASES = 1024
    Wm1 = jax.random.normal(ks[5], (2 * GNN * PHASES, MLP), dtype=jnp.float32) * 0.02
    bm1 = jnp.zeros((MLP,), dtype=jnp.float32)
    Wm2 = jax.random.normal(ks[6], (MLP, MLP), dtype=jnp.float32) * 0.05
    bm2 = jnp.zeros((MLP,), dtype=jnp.float32)
    Wmu = jax.random.normal(ks[7], (MLP, ACT_DIM), dtype=jnp.float32) * 0.05
    bmu = jnp.zeros((ACT_DIM,), dtype=jnp.float32)
    log_std = -0.5 * jnp.ones((ACT_DIM,), dtype=jnp.float32)
    return {"obs": obs, "edge_index": edge_index, "act": act,
            "W1": W1, "b1": b1, "W2": W2, "b2": b2,
            "Wm1": Wm1, "bm1": bm1, "Wm2": Wm2, "bm2": bm2,
            "Wmu": Wmu, "bmu": bmu, "log_std": log_std}


def _gnn_layer(h, W, b, src, dst):
    hl = h @ W + b
    msg = jnp.take(hl, src, axis=0)
    agg = jax.ops.segment_sum(msg, dst, num_segments=N)
    deg = jax.ops.segment_sum(jnp.ones((src.shape[0],), jnp.float32), dst, num_segments=N)
    agg = agg / jnp.maximum(deg, 1.0)[:, None]
    return jax.nn.relu(jnp.concatenate([hl, agg], axis=-1))


def reference(obs, edge_index, act, W1, b1, W2, b2, Wm1, bm1, Wm2, bm2, Wmu, bmu, log_std):
    src = edge_index[0]
    dst = edge_index[1]
    h = obs.reshape(-1, FEATURES)
    h = _gnn_layer(h, W1, b1, src, dst)
    h = _gnn_layer(h, W2, b2, src, dst)
    h = h.reshape(STEPS, NCPU, -1, h.shape[-1] * PHASES)
    x = jnp.tanh(h @ Wm1 + bm1)
    x = jnp.tanh(x @ Wm2 + bm2)
    mu = x @ Wmu + bmu
    std = jnp.exp(log_std)
    logp = jnp.sum(-0.5 * ((act - mu) / std) ** 2 - log_std - 0.5 * jnp.log(2.0 * jnp.pi), axis=-1)
    return (mu, logp)

if __name__ == "__main__":
    import jax
    _d = setup_inputs()
    print(jax.jit(kernel)(*tuple(_d.values())))

</pallas_src>

<mosaic_0001>
#map = affine_map<(d0, d1) -> (0, 0)>
#map1 = affine_map<(d0, d1) -> (0, 0, 0)>
module attributes {stable_mosaic.version = 14 : i64} {
  func.func @body(%arg0: i32, %arg1: i32, %arg2: memref<10000x64xf32, #tpu.memory_space<hbm>>, %arg3: memref<32x79x128xi32, #tpu.memory_space<hbm>>, %arg4: memref<32x79x128xi32, #tpu.memory_space<hbm>>, %arg5: memref<2x10240x64xf32, #tpu.memory_space<hbm>>, %arg6: memref<79x128xi32, #tpu.memory_space<vmem>>, %arg7: memref<79x128xi32, #tpu.memory_space<vmem>>, %arg8: memref<128x64xf32, #tpu.memory_space<vmem>>, %arg9: memref<10240x64xf32, #tpu.memory_space<vmem_shared>>, %arg10: memref<!tpu.dma_semaphore, #tpu.memory_space<semaphore_mem>>) attributes {dimension_semantics = [#tpu.dimension_semantics<core_parallel>, #tpu.dimension_semantics<subcore_parallel>], iteration_bounds = array<i64: 2, 16>, scalar_prefetch = 0 : i64, scratch_operands = 5 : i64, tpu.core_type = #tpu.core_type<sc_vector_subcore>, window_params = [{transform_indices = #map}, {transform_indices = #map1}, {transform_indices = #map1}, {transform_indices = #map1}]} {
    %mul3A = arith.constant 2 : i32
    %mul3A_0 = arith.muli %arg1, %mul3A : i32
    %add3A = arith.addi %mul3A_0, %arg0 : i32
    "tpu.region"() ({
      %run_scoped3A = tpu.sem_alloc : memref<!tpu.dma_semaphore, #tpu.memory_space<semaphore_mem>>
      %dma_start3A = arith.constant 0 : i32
      %dma_start3A_26 = arith.constant 0 : i32
      %dma_start3A_27 = tpu.memref_slice %arg3[%add3A, %dma_start3A, %dma_start3A_26] : memref<32x79x128xi32, #tpu.memory_space<hbm>> -> memref<1x79x128xi32, #tpu.memory_space<hbm>>
      %dma_start3A_28 = tpu.memref_squeeze %dma_start3A_27 : memref<1x79x128xi32, #tpu.memory_space<hbm>> -> memref<79x128xi32, #tpu.memory_space<hbm>>
      %dma_start3A_29 = arith.constant 0 : i32
      %dma_start3A_30 = arith.constant 0 : i32
      %dma_start3A_31 = tpu.memref_slice %arg3[%add3A, %dma_start3A_29, %dma_start3A_30] : memref<32x79x128xi32, #tpu.memory_space<hbm>> -> memref<1x79x128xi32, #tpu.memory_space<hbm>>
      %dma_start3A_32 = tpu.memref_squeeze %dma_start3A_31 : memref<1x79x128xi32, #tpu.memory_space<hbm>> -> memref<79x128xi32, #tpu.memory_space<hbm>>
      tpu.enqueue_dma source(%dma_start3A_32 : memref<79x128xi32, #tpu.memory_space<hbm>>) target(%arg6 : memref<79x128xi32, #tpu.memory_space<vmem>>) target_semaphore(%run_scoped3A : memref<!tpu.dma_semaphore, #tpu.memory_space<semaphore_mem>>)
      %dma_wait3A = arith.constant 0 : i32
      %dma_wait3A_33 = arith.constant 0 : i32
      %dma_wait3A_34 = tpu.memref_slice %arg3[%add3A, %dma_wait3A, %dma_wait3A_33] : memref<32x79x128xi32, #tpu.memory_space<hbm>> -> memref<1x79x128xi32, #tpu.memory_space<hbm>>
      %dma_wait3A_35 = tpu.memref_squeeze %dma_wait3A_34 : memref<1x79x128xi32, #tpu.memory_space<hbm>> -> memref<79x128xi32, #tpu.memory_space<hbm>>
      %dma_wait3A_36 = arith.constant 0 : i32
      %dma_wait3A_37 = arith.constant 0 : i32
      %dma_wait3A_38 = tpu.memref_slice %arg3[%add3A, %dma_wait3A_36, %dma_wait3A_37] : memref<32x79x128xi32, #tpu.memory_space<hbm>> -> memref<1x79x128xi32, #tpu.memory_space<hbm>>
      %dma_wait3A_39 = tpu.memref_squeeze %dma_wait3A_38 : memref<1x79x128xi32, #tpu.memory_space<hbm>> -> memref<79x128xi32, #tpu.memory_space<hbm>>
      tpu.wait_dma2 semaphore(%run_scoped3A : memref<!tpu.dma_semaphore, #tpu.memory_space<semaphore_mem>>) src(%dma_wait3A_39 : memref<79x128xi32, #tpu.memory_space<hbm>>) dst(%arg6 : memref<79x128xi32, #tpu.memory_space<vmem>>)
      tpu.yield
    }) : () -> ()
    "tpu.region"() ({
      %run_scoped3A = tpu.sem_alloc : memref<!tpu.dma_semaphore, #tpu.memory_space<semaphore_mem>>
      %dma_start3A = arith.constant 0 : i32
      %dma_start3A_26 = arith.constant 0 : i32
      %dma_start3A_27 = tpu.memref_slice %arg4[%add3A, %dma_start3A, %dma_start3A_26] : memref<32x79x128xi32, #tpu.memory_space<hbm>> -> memref<1x79x128xi32, #tpu.memory_space<hbm>>
      %dma_start3A_28 = tpu.memref_squeeze %dma_start3A_27 : memref<1x79x128xi32, #tpu.memory_space<hbm>> -> memref<79x128xi32, #tpu.memory_space<hbm>>
      %dma_start3A_29 = arith.constant 0 : i32
      %dma_start3A_30 = arith.constant 0 : i32
      %dma_start3A_31 = tpu.memref_slice %arg4[%add3A, %dma_start3A_29, %dma_start3A_30] : memref<32x79x128xi32, #tpu.memory_space<hbm>> -> memref<1x79x128xi32, #tpu.memory_space<hbm>>
      %dma_start3A_32 = tpu.memref_squeeze %dma_start3A_31 : memref<1x79x128xi32, #tpu.memory_space<hbm>> -> memref<79x128xi32, #tpu.memory_space<hbm>>
      tpu.enqueue_dma source(%dma_start3A_32 : memref<79x128xi32, #tpu.memory_space<hbm>>) target(%arg7 : memref<79x128xi32, #tpu.memory_space<vmem>>) target_semaphore(%run_scoped3A : memref<!tpu.dma_semaphore, #tpu.memory_space<semaphore_mem>>)
      %dma_wait3A = arith.constant 0 : i32
      %dma_wait3A_33 = arith.constant 0 : i32
      %dma_wait3A_34 = tpu.memref_slice %arg4[%add3A, %dma_wait3A, %dma_wait3A_33] : memref<32x79x128xi32, #tpu.memory_space<hbm>> -> memref<1x79x128xi32, #tpu.memory_space<hbm>>
      %dma_wait3A_35 = tpu.memref_squeeze %dma_wait3A_34 : memref<1x79x128xi32, #tpu.memory_space<hbm>> -> memref<79x128xi32, #tpu.memory_space<hbm>>
      %dma_wait3A_36 = arith.constant 0 : i32
      %dma_wait3A_37 = arith.constant 0 : i32
      %dma_wait3A_38 = tpu.memref_slice %arg4[%add3A, %dma_wait3A_36, %dma_wait3A_37] : memref<32x79x128xi32, #tpu.memory_space<hbm>> -> memref<1x79x128xi32, #tpu.memory_space<hbm>>
      %dma_wait3A_39 = tpu.memref_squeeze %dma_wait3A_38 : memref<1x79x128xi32, #tpu.memory_space<hbm>> -> memref<79x128xi32, #tpu.memory_space<hbm>>
      tpu.wait_dma2 semaphore(%run_scoped3A : memref<!tpu.dma_semaphore, #tpu.memory_space<semaphore_mem>>) src(%dma_wait3A_39 : memref<79x128xi32, #tpu.memory_space<hbm>>) dst(%arg7 : memref<79x128xi32, #tpu.memory_space<vmem>>)
      tpu.yield
    }) : () -> ()
    %broadcast_in_dim3A = arith.constant 0.000000e+00 : f32
    %broadcast_in_dim3A_1 = vector.broadcast %broadcast_in_dim3A : f32 to vector<16xf32>
    %mul3A_2 = arith.constant 640 : i32
    %mul3A_3 = arith.muli %arg1, %mul3A_2 : i32
    %scan3A = arith.constant 0 : i32
    %scan3A_4 = arith.constant 0 : i32
    %scan3A_5 = arith.constant 128 : i32
    %scan3A_6 = arith.addi %scan3A_4, %scan3A_5 : i32
    %scan3A_7 = arith.constant 1 : i32
    scf.for %scan3A_26 = %scan3A_4 to %scan3A_6 step %scan3A_7  : i32 {
      %swap3A = arith.index_cast %scan3A_26 : i32 to index
      %swap3A_27 = arith.constant 0 : index
      %swap3A_28 = tpu.vector_load %arg8[%swap3A, %swap3A_27] {strides = array<i32>} : memref<128x64xf32, #tpu.memory_space<vmem>>, vector<1x16xf32>,
      %swap3A_29 = vector.shape_cast %swap3A_28 : vector<1x16xf32> to vector<16xf32>
      %swap3A_30 = vector.shape_cast %broadcast_in_dim3A_1 : vector<16xf32> to vector<1x16xf32>
      tpu.vector_store %arg8[%swap3A, %swap3A_27], %swap3A_30 {strides = array<i32>} : memref<128x64xf32, #tpu.memory_space<vmem>>, vector<1x16xf32>,
      %swap3A_31 = arith.index_cast %scan3A_26 : i32 to index
      %swap3A_32 = arith.constant 16 : index
      %swap3A_33 = tpu.vector_load %arg8[%swap3A_31, %swap3A_32] {strides = array<i32>} : memref<128x64xf32, #tpu.memory_space<vmem>>, vector<1x16xf32>,
      %swap3A_34 = vector.shape_cast %swap3A_33 : vector<1x16xf32> to vector<16xf32>
      %swap3A_35 = vector.shape_cast %broadcast_in_dim3A_1 : vector<16xf32> to vector<1x16xf32>
      tpu.vector_store %arg8[%swap3A_31, %swap3A_32], %swap3A_35 {strides = array<i32>} : memref<128x64xf32, #tpu.memory_space<vmem>>, vector<1x16xf32>,
      %swap3A_36 = arith.index_cast %scan3A_26 : i32 to index
      %swap3A_37 = arith.constant 32 : index
      %swap3A_38 = tpu.vector_load %arg8[%swap3A_36, %swap3A_37] {strides = array<i32>} : memref<128x64xf32, #tpu.memory_space<vmem>>, vector<1x16xf32>,
      %swap3A_39 = vector.shape_cast %swap3A_38 : vector<1x16xf32> to vector<16xf32>
      %swap3A_40 = vector.shape_cast %broadcast_in_dim3A_1 : vector<16xf32> to vector<1x16xf32>
      tpu.vector_store %arg8[%swap3A_36, %swap3A_37], %swap3A_40 {strides = array<i32>} : memref<128x64xf32, #tpu.memory_space<vmem>>, vector<1x16xf32>,
      %swap3A_41 = arith.index_cast %scan3A_26 : i32 to index
      %swap3A_42 = arith.constant 48 : index
      %swap3A_43 = tpu.vector_load %arg8[%swap3A_41, %swap3A_42] {strides = array<i32>} : memref<128x64xf32, #tpu.memory_space<vmem>>, vector<1x16xf32>,
      %swap3A_44 = vector.shape_cast %swap3A_43 : vector<1x16xf32> to vector<16xf32>
      %swap3A_45 = vector.shape_cast %broadcast_in_dim3A_1 : vector<16xf32> to vector<1x16xf32>
      tpu.vector_store %arg8[%swap3A_41, %swap3A_42], %swap3A_45 {strides = array<i32>} : memref<128x64xf32, #tpu.memory_space<vmem>>, vector<1x16xf32>,
    }
    %scan3A_8 = arith.constant 128 : i32
    %add3A_9 = arith.constant 0 : i32
    %add3A_10 = arith.addi %mul3A_3, %add3A_9 : i32
    "tpu.region"() ({
      %run_scoped3A = tpu.sem_alloc : memref<!tpu.dma_semaphore, #tpu.memory_space<semaphore_mem>>
      %dma_start3A = arith.constant 0 : i32
      %dma_start3A_26 = tpu.memref_slice %arg9[%add3A_10, %dma_start3A] : memref<10240x64xf32, #tpu.memory_space<vmem_shared>> -> memref<128x64xf32, #tpu.memory_space<vmem_shared>>
      %dma_start3A_27 = arith.constant 0 : i32
      %dma_start3A_28 = tpu.memref_slice %arg9[%add3A_10, %dma_start3A_27] : memref<10240x64xf32, #tpu.memory_space<vmem_shared>> -> memref<128x64xf32, #tpu.memory_space<vmem_shared>>
      tpu.enqueue_dma source(%arg8 : memref<128x64xf32, #tpu.memory_space<vmem>>) target(%dma_start3A_28 : memref<128x64xf32, #tpu.memory_space<vmem_shared>>) target_semaphore(%run_scoped3A : memref<!tpu.dma_semaphore, #tpu.memory_space<semaphore_mem>>)
      %dma_wait3A = arith.constant 0 : i32
      %dma_wait3A_29 = tpu.memref_slice %arg9[%add3A_10, %dma_wait3A] : memref<10240x64xf32, #tpu.memory_space<vmem_shared>> -> memref<128x64xf32, #tpu.memory_space<vmem_shared>>
      %dma_wait3A_30 = arith.constant 0 : i32
      %dma_wait3A_31 = tpu.memref_slice %arg9[%add3A_10, %dma_wait3A_30] : memref<10240x64xf32, #tpu.memory_space<vmem_shared>> -> memref<128x64xf32, #tpu.memory_space<vmem_shared>>
      tpu.wait_dma2 semaphore(%run_scoped3A : memref<!tpu.dma_semaphore, #tpu.memory_space<semaphore_mem>>) src(%arg8 : memref<128x64xf32, #tpu.memory_space<vmem>>) dst(%dma_wait3A_31 : memref<128x64xf32, #tpu.memory_space<vmem_shared>>)
      tpu.yield
    }) : () -> ()
    %add3A_11 = arith.constant 128 : i32
    %add3A_12 = arith.addi %mul3A_3, %add3A_11 : i32
    "tpu.region"() ({
      %run_scoped3A = tpu.sem_alloc : memref<!tpu.dma_semaphore, #tpu.memory_space<semaphore_mem>>
      %dma_start3A = arith.constant 0 : i32
      %dma_start3A_26 = tpu.memref_slice %arg9[%add3A_12, %dma_start3A] : memref<10240x64xf32, #tpu.memory_space<vmem_shared>> -> memref<128x64xf32, #tpu.memory_space<vmem_shared>>
      %dma_start3A_27 = arith.constant 0 : i32
      %dma_start3A_28 = tpu.memref_slice %arg9[%add3A_12, %dma_start3A_27] : memref<10240x64xf32, #tpu.memory_space<vmem_shared>> -> memref<128x64xf32, #tpu.memory_space<vmem_shared>>
      tpu.enqueue_dma source(%arg8 : memref<128x64xf32, #tpu.memory_space<vmem>>) target(%dma_start3A_28 : memref<128x64xf32, #tpu.memory_space<vmem_shared>>) target_semaphore(%run_scoped3A : memref<!tpu.dma_semaphore, #tpu.memory_space<semaphore_mem>>)
      %dma_wait3A = arith.constant 0 : i32
      %dma_wait3A_29 = tpu.memref_slice %arg9[%add3A_12, %dma_wait3A] : memref<10240x64xf32, #tpu.memory_space<vmem_shared>> -> memref<128x64xf32, #tpu.memory_space<vmem_shared>>
      %dma_wait3A_30 = arith.constant 0 : i32
      %dma_wait3A_31 = tpu.memref_slice %arg9[%add3A_12, %dma_wait3A_30] : memref<10240x64xf32, #tpu.memory_space<vmem_shared>> -> memref<128x64xf32, #tpu.memory_space<vmem_shared>>
      tpu.wait_dma2 semaphore(%run_scoped3A : memref<!tpu.dma_semaphore, #tpu.memory_space<semaphore_mem>>) src(%arg8 : memref<128x64xf32, #tpu.memory_space<vmem>>) dst(%dma_wait3A_31 : memref<128x64xf32, #tpu.memory_space<vmem_shared>>)
      tpu.yield
    }) : () -> ()
    %add3A_13 = arith.constant 256 : i32
    %add3A_14 = arith.addi %mul3A_3, %add3A_13 : i32
    "tpu.region"() ({
      %run_scoped3A = tpu.sem_alloc : memref<!tpu.dma_semaphore, #tpu.memory_space<semaphore_mem>>
      %dma_start3A = arith.constant 0 : i32
      %dma_start3A_26 = tpu.memref_slice %arg9[%add3A_14, %dma_start3A] : memref<10240x64xf32, #tpu.memory_space<vmem_shared>> -> memref<128x64xf32, #tpu.memory_space<vmem_shared>>
      %dma_start3A_27 = arith.constant 0 : i32
      %dma_start3A_28 = tpu.memref_slice %arg9[%add3A_14, %dma_start3A_27] : memref<10240x64xf32, #tpu.memory_space<vmem_shared>> -> memref<128x64xf32, #tpu.memory_space<vmem_shared>>
      tpu.enqueue_dma source(%arg8 : memref<128x64xf32, #tpu.memory_space<vmem>>) target(%dma_start3A_28 : memref<128x64xf32, #tpu.memory_space<vmem_shared>>) target_semaphore(%run_scoped3A : memref<!tpu.dma_semaphore, #tpu.memory_space<semaphore_mem>>)
      %dma_wait3A = arith.constant 0 : i32
      %dma_wait3A_29 = tpu.memref_slice %arg9[%add3A_14, %dma_wait3A] : memref<10240x64xf32, #tpu.memory_space<vmem_shared>> -> memref<128x64xf32, #tpu.memory_space<vmem_shared>>
      %dma_wait3A_30 = arith.constant 0 : i32
      %dma_wait3A_31 = tpu.memref_slice %arg9[%add3A_14, %dma_wait3A_30] : memref<10240x64xf32, #tpu.memory_space<vmem_shared>> -> memref<128x64xf32, #tpu.memory_space<vmem_shared>>
      tpu.wait_dma2 semaphore(%run_scoped3A : memref<!tpu.dma_semaphore, #tpu.memory_space<semaphore_mem>>) src(%arg8 : memref<128x64xf32, #tpu.memory_space<vmem>>) dst(%dma_wait3A_31 : memref<128x64xf32, #tpu.memory_space<vmem_shared>>)
      tpu.yield
    }) : () -> ()
    %add3A_15 = arith.constant 384 : i32
    %add3A_16 = arith.addi %mul3A_3, %add3A_15 : i32
    "tpu.region"() ({
      %run_scoped3A = tpu.sem_alloc : memref<!tpu.dma_semaphore, #tpu.memory_space<semaphore_mem>>
      %dma_start3A = arith.constant 0 : i32
      %dma_start3A_26 = tpu.memref_slice %arg9[%add3A_16, %dma_start3A] : memref<10240x64xf32, #tpu.memory_space<vmem_shared>> -> memref<128x64xf32, #tpu.memory_space<vmem_shared>>
      %dma_start3A_27 = arith.constant 0 : i32
      %dma_start3A_28 = tpu.memref_slice %arg9[%add3A_16, %dma_start3A_27] : memref<10240x64xf32, #tpu.memory_space<vmem_shared>> -> memref<128x64xf32, #tpu.memory_space<vmem_shared>>
      tpu.enqueue_dma source(%arg8 : memref<128x64xf32, #tpu.memory_space<vmem>>) target(%dma_start3A_28 : memref<128x64xf32, #tpu.memory_space<vmem_shared>>) target_semaphore(%run_scoped3A : memref<!tpu.dma_semaphore, #tpu.memory_space<semaphore_mem>>)
      %dma_wait3A = arith.constant 0 : i32
      %dma_wait3A_29 = tpu.memref_slice %arg9[%add3A_16, %dma_wait3A] : memref<10240x64xf32, #tpu.memory_space<vmem_shared>> -> memref<128x64xf32, #tpu.memory_space<vmem_shared>>
      %dma_wait3A_30 = arith.constant 0 : i32
      %dma_wait3A_31 = tpu.memref_slice %arg9[%add3A_16, %dma_wait3A_30] : memref<10240x64xf32, #tpu.memory_space<vmem_shared>> -> memref<128x64xf32, #tpu.memory_space<vmem_shared>>
      tpu.wait_dma2 semaphore(%run_scoped3A : memref<!tpu.dma_semaphore, #tpu.memory_space<semaphore_mem>>) src(%arg8 : memref<128x64xf32, #tpu.memory_space<vmem>>) dst(%dma_wait3A_31 : memref<128x64xf32, #tpu.memory_space<vmem_shared>>)
      tpu.yield
    }) : () -> ()
    %add3A_17 = arith.constant 512 : i32
    %add3A_18 = arith.addi %mul3A_3, %add3A_17 : i32
    "tpu.region"() ({
      %run_scoped3A = tpu.sem_alloc : memref<!tpu.dma_semaphore, #tpu.memory_space<semaphore_mem>>
      %dma_start3A = arith.constant 0 : i32
      %dma_start3A_26 = tpu.memref_slice %arg9[%add3A_18, %dma_start3A] : memref<10240x64xf32, #tpu.memory_space<vmem_shared>> -> memref<128x64xf32, #tpu.memory_space<vmem_shared>>
      %dma_start3A_27 = arith.constant 0 : i32
      %dma_start3A_28 = tpu.memref_slice %arg9[%add3A_18, %dma_start3A_27] : memref<10240x64xf32, #tpu.memory_space<vmem_shared>> -> memref<128x64xf32, #tpu.memory_space<vmem_shared>>
      tpu.enqueue_dma source(%arg8 : memref<128x64xf32, #tpu.memory_space<vmem>>) target(%dma_start3A_28 : memref<128x64xf32, #tpu.memory_space<vmem_shared>>) target_semaphore(%run_scoped3A : memref<!tpu.dma_semaphore, #tpu.memory_space<semaphore_mem>>)
      %dma_wait3A = arith.constant 0 : i32
      %dma_wait3A_29 = tpu.memref_slice %arg9[%add3A_18, %dma_wait3A] : memref<10240x64xf32, #tpu.memory_space<vmem_shared>> -> memref<128x64xf32, #tpu.memory_space<vmem_shared>>
      %dma_wait3A_30 = arith.constant 0 : i32
      %dma_wait3A_31 = tpu.memref_slice %arg9[%add3A_18, %dma_wait3A_30] : memref<10240x64xf32, #tpu.memory_space<vmem_shared>> -> memref<128x64xf32, #tpu.memory_space<vmem_shared>>
      tpu.wait_dma2 semaphore(%run_scoped3A : memref<!tpu.dma_semaphore, #tpu.memory_space<semaphore_mem>>) src(%arg8 : memref<128x64xf32, #tpu.memory_space<vmem>>) dst(%dma_wait3A_31 : memref<128x64xf32, #tpu.memory_space<vmem_shared>>)
      tpu.yield
    }) : () -> ()
    %barrier3A = arith.constant 0 : index
    tpu.barrier barrier_id(%barrier3A)
    %scan3A_19 = arith.constant 0 : i32
    %scan3A_20 = arith.constant 0 : i32
    %scan3A_21 = arith.constant 79 : i32
    %scan3A_22 = arith.addi %scan3A_20, %scan3A_21 : i32
    %scan3A_23 = arith.constant 1 : i32
    scf.for %scan3A_26 = %scan3A_20 to %scan3A_22 step %scan3A_23  : i32 {
      %dma_start3A = arith.constant 0 : i32
      %dma_start3A_27 = tpu.memref_slice %arg6[%scan3A_26, %dma_start3A] : memref<79x128xi32, #tpu.memory_space<vmem>> -> memref<1x128xi32, #tpu.memory_space<vmem>>
      %dma_start3A_28 = tpu.memref_squeeze %dma_start3A_27 : memref<1x128xi32, #tpu.memory_space<vmem>> -> memref<128xi32, #tpu.memory_space<vmem>>
      %dma_start3A_29 = arith.constant 0 : i32
      %dma_start3A_30 = arith.constant 0 : i32
      %dma_start3A_31 = tpu.memref_slice %arg2[%dma_start3A_29, %dma_start3A_30] : memref<10000x64xf32, #tpu.memory_space<hbm>> -> memref<10000x64xf32, #tpu.memory_space<hbm>>
      tpu.enqueue_indirect_dma source(%dma_start3A_31 : memref<10000x64xf32, #tpu.memory_space<hbm>>) target(%arg8 : memref<128x64xf32, #tpu.memory_space<vmem>>) offsets(%dma_start3A_28 : memref<128xi32, #tpu.memory_space<vmem>>) semaphore(%arg10 : memref<!tpu.dma_semaphore, #tpu.memory_space<semaphore_mem>>)
      %dma_wait3A = arith.constant 0 : i32
      %dma_wait3A_32 = tpu.memref_slice %arg6[%scan3A_26, %dma_wait3A] : memref<79x128xi32, #tpu.memory_space<vmem>> -> memref<1x128xi32, #tpu.memory_space<vmem>>
      %dma_wait3A_33 = tpu.memref_squeeze %dma_wait3A_32 : memref<1x128xi32, #tpu.memory_space<vmem>> -> memref<128xi32, #tpu.memory_space<vmem>>
      %dma_wait3A_34 = arith.constant 0 : i32
      %dma_wait3A_35 = arith.constant 0 : i32
      %dma_wait3A_36 = tpu.memref_slice %arg2[%dma_wait3A_34, %dma_wait3A_35] : memref<10000x64xf32, #tpu.memory_space<hbm>> -> memref<10000x64xf32, #tpu.memory_space<hbm>>
      tpu.wait_indirect_dma semaphore(%arg10 : memref<!tpu.dma_semaphore, #tpu.memory_space<semaphore_mem>>) src(%dma_wait3A_36 : memref<10000x64xf32, #tpu.memory_space<hbm>>) dst(%arg8 : memref<128x64xf32, #tpu.memory_space<vmem>>)
      "tpu.region"() ({
        %run_scoped3A = tpu.sem_alloc : memref<!tpu.dma_semaphore, #tpu.memory_space<semaphore_mem>>
        %dma_start3A_37 = arith.constant 0 : i32
        %dma_start3A_38 = tpu.memref_slice %arg7[%scan3A_26, %dma_start3A_37] : memref<79x128xi32, #tpu.memory_space<vmem>> -> memref<1x128xi32, #tpu.memory_space<vmem>>
        %dma_start3A_39 = tpu.memref_squeeze %dma_start3A_38 : memref<1x128xi32, #tpu.memory_space<vmem>> -> memref<128xi32, #tpu.memory_space<vmem>>
        %dma_start3A_40 = arith.constant 0 : i32
        %dma_start3A_41 = arith.constant 0 : i32
        %dma_start3A_42 = tpu.memref_slice %arg9[%dma_start3A_40, %dma_start3A_41] : memref<10240x64xf32, #tpu.memory_space<vmem_shared>> -> memref<10240x64xf32, #tpu.memory_space<vmem_shared>>
        tpu.enqueue_indirect_dma source(%arg8 : memref<128x64xf32, #tpu.memory_space<vmem>>) target(%dma_start3A_42 : memref<10240x64xf32, #tpu.memory_space<vmem_shared>>) offsets(%dma_start3A_39 : memref<128xi32, #tpu.memory_space<vmem>>) semaphore(%run_scoped3A : memref<!tpu.dma_semaphore, #tpu.memory_space<semaphore_mem>>) {add = true}
        %dma_wait3A_43 = arith.constant 0 : i32
        %dma_wait3A_44 = tpu.memref_slice %arg7[%scan3A_26, %dma_wait3A_43] : memref<79x128xi32, #tpu.memory_space<vmem>> -> memref<1x128xi32, #tpu.memory_space<vmem>>
        %dma_wait3A_45 = tpu.memref_squeeze %dma_wait3A_44 : memref<1x128xi32, #tpu.memory_space<vmem>> -> memref<128xi32, #tpu.memory_space<vmem>>
        %dma_wait3A_46 = arith.constant 0 : i32
        %dma_wait3A_47 = arith.constant 0 : i32
        %dma_wait3A_48 = tpu.memref_slice %arg9[%dma_wait3A_46, %dma_wait3A_47] : memref<10240x64xf32, #tpu.memory_space<vmem_shared>> -> memref<10240x64xf32, #tpu.memory_space<vmem_shared>>
        tpu.wait_indirect_dma semaphore(%run_scoped3A : memref<!tpu.dma_semaphore, #tpu.memory_space<semaphore_mem>>) src(%arg8 : memref<128x64xf32, #tpu.memory_space<vmem>>) dst(%dma_wait3A_48 : memref<10240x64xf32, #tpu.memory_space<vmem_shared>>)
        tpu.yield
      }) : () -> ()
    }
    %scan3A_24 = arith.constant 79 : i32
    %barrier3A_25 = arith.constant 0 : index
    tpu.barrier barrier_id(%barrier3A_25)
    "tpu.region"() ({
      %run_scoped3A = tpu.sem_alloc : memref<!tpu.dma_semaphore, #tpu.memory_space<semaphore_mem>>
      %dma_start3A = arith.constant 0 : i32
      %dma_start3A_26 = tpu.memref_slice %arg5[%arg0, %mul3A_3, %dma_start3A] : memref<2x10240x64xf32, #tpu.memory_space<hbm>> -> memref<1x640x64xf32, #tpu.memory_space<hbm>>
      %dma_start3A_27 = tpu.memref_squeeze %dma_start3A_26 : memref<1x640x64xf32, #tpu.memory_space<hbm>> -> memref<640x64xf32, #tpu.memory_space<hbm>>
      %dma_start3A_28 = arith.constant 0 : i32
      %dma_start3A_29 = tpu.memref_slice %arg9[%mul3A_3, %dma_start3A_28] : memref<10240x64xf32, #tpu.memory_space<vmem_shared>> -> memref<640x64xf32, #tpu.memory_space<vmem_shared>>
      tpu.enqueue_dma source(%dma_start3A_29 : memref<640x64xf32, #tpu.memory_space<vmem_shared>>) target(%dma_start3A_27 : memref<640x64xf32, #tpu.memory_space<hbm>>) target_semaphore(%run_scoped3A : memref<!tpu.dma_semaphore, #tpu.memory_space<semaphore_mem>>)
      %dma_wait3A = arith.constant 0 : i32
      %dma_wait3A_30 = tpu.memref_slice %arg5[%arg0, %mul3A_3, %dma_wait3A] : memref<2x10240x64xf32, #tpu.memory_space<hbm>> -> memref<1x640x64xf32, #tpu.memory_space<hbm>>
      %dma_wait3A_31 = tpu.memref_squeeze %dma_wait3A_30 : memref<1x640x64xf32, #tpu.memory_space<hbm>> -> memref<640x64xf32, #tpu.memory_space<hbm>>
      %dma_wait3A_32 = arith.constant 0 : i32
      %dma_wait3A_33 = tpu.memref_slice %arg9[%mul3A_3, %dma_wait3A_32] : memref<10240x64xf32, #tpu.memory_space<vmem_shared>> -> memref<640x64xf32, #tpu.memory_space<vmem_shared>>
      tpu.wait_dma2 semaphore(%run_scoped3A : memref<!tpu.dma_semaphore, #tpu.memory_space<semaphore_mem>>) src(%dma_wait3A_33 : memref<640x64xf32, #tpu.memory_space<vmem_shared>>) dst(%dma_wait3A_31 : memref<640x64xf32, #tpu.memory_space<hbm>>)
      tpu.yield
    }) : () -> ()
    return
  }
}

#map = affine_map<(d0, d1) -> (0, 0)>
#map1 = affine_map<(d0, d1) -> (0, 0, 0)>
module attributes {stable_mosaic.version = 14 : i64} {
  func.func @body(%arg0: i32, %arg1: i32, %arg2: memref<10000x64xf32, #tpu.memory_space<hbm>>, %arg3: memref<32x79x128xi32, #tpu.memory_space<hbm>>, %arg4: memref<32x79x128xi32, #tpu.memory_space<hbm>>, %arg5: memref<2x10240x64xf32, #tpu.memory_space<hbm>>, %arg6: memref<2x10240x16xf32, #tpu.memory_space<hbm>>, %arg7: memref<79x128xi32, #tpu.memory_space<vmem>>, %arg8: memref<79x128xi32, #tpu.memory_space<vmem>>, %arg9: memref<128x64xf32, #tpu.memory_space<vmem>>, %arg10: memref<10240x64xf32, #tpu.memory_space<vmem_shared>>, %arg11: memref<!tpu.dma_semaphore, #tpu.memory_space<semaphore_mem>>, %arg12: memref<128x16xf32, #tpu.memory_space<vmem>>, %arg13: memref<10240x16xf32, #tpu.memory_space<vmem_shared>>) attributes {dimension_semantics = [#tpu.dimension_semantics<core_parallel>, #tpu.dimension_semantics<subcore_parallel>], iteration_bounds = array<i64: 2, 16>, scalar_prefetch = 0 : i64, scratch_operands = 7 : i64, tpu.core_type = #tpu.core_type<sc_vector_subcore>, window_params = [{transform_indices = #map}, {transform_indices = #map1}, {transform_indices = #map1}, {transform_indices = #map1}, {transform_indices = #map1}]} {
    %mul3A = arith.constant 2 : i32
    %mul3A_0 = arith.muli %arg1, %mul3A : i32
    %add3A = arith.addi %mul3A_0, %arg0 : i32
    "tpu.region"() ({
      %run_scoped3A = tpu.sem_alloc : memref<!tpu.dma_semaphore, #tpu.memory_space<semaphore_mem>>
      %dma_start3A = arith.constant 0 : i32
      %dma_start3A_50 = arith.constant 0 : i32
      %dma_start3A_51 = tpu.memref_slice %arg3[%add3A, %dma_start3A, %dma_start3A_50] : memref<32x79x128xi32, #tpu.memory_space<hbm>> -> memref<1x79x128xi32, #tpu.memory_space<hbm>>
      %dma_start3A_52 = tpu.memref_squeeze %dma_start3A_51 : memref<1x79x128xi32, #tpu.memory_space<hbm>> -> memref<79x128xi32, #tpu.memory_space<hbm>>
      %dma_start3A_53 = arith.constant 0 : i32
      %dma_start3A_54 = arith.constant 0 : i32
      %dma_start3A_55 = tpu.memref_slice %arg3[%add3A, %dma_start3A_53, %dma_start3A_54] : memref<32x79x128xi32, #tpu.memory_space<hbm>> -> memref<1x79x128xi32, #tpu.memory_space<hbm>>
      %dma_start3A_56 = tpu.memref_squeeze %dma_start3A_55 : memref<1x79x128xi32, #tpu.memory_space<hbm>> -> memref<79x128xi32, #tpu.memory_space<hbm>>
      tpu.enqueue_dma source(%dma_start3A_56 : memref<79x128xi32, #tpu.memory_space<hbm>>) target(%arg7 : memref<79x128xi32, #tpu.memory_space<vmem>>) target_semaphore(%run_scoped3A : memref<!tpu.dma_semaphore, #tpu.memory_space<semaphore_mem>>)
      %dma_wait3A = arith.constant 0 : i32
      %dma_wait3A_57 = arith.constant 0 : i32
      %dma_wait3A_58 = tpu.memref_slice %arg3[%add3A, %dma_wait3A, %dma_wait3A_57] : memref<32x79x128xi32, #tpu.memory_space<hbm>> -> memref<1x79x128xi32, #tpu.memory_space<hbm>>
      %dma_wait3A_59 = tpu.memref_squeeze %dma_wait3A_58 : memref<1x79x128xi32, #tpu.memory_space<hbm>> -> memref<79x128xi32, #tpu.memory_space<hbm>>
      %dma_wait3A_60 = arith.constant 0 : i32
      %dma_wait3A_61 = arith.constant 0 : i32
      %dma_wait3A_62 = tpu.memref_slice %arg3[%add3A, %dma_wait3A_60, %dma_wait3A_61] : memref<32x79x128xi32, #tpu.memory_space<hbm>> -> memref<1x79x128xi32, #tpu.memory_space<hbm>>
      %dma_wait3A_63 = tpu.memref_squeeze %dma_wait3A_62 : memref<1x79x128xi32, #tpu.memory_space<hbm>> -> memref<79x128xi32, #tpu.memory_space<hbm>>
      tpu.wait_dma2 semaphore(%run_scoped3A : memref<!tpu.dma_semaphore, #tpu.memory_space<semaphore_mem>>) src(%dma_wait3A_63 : memref<79x128xi32, #tpu.memory_space<hbm>>) dst(%arg7 : memref<79x128xi32, #tpu.memory_space<vmem>>)
      tpu.yield
    }) : () -> ()
    "tpu.region"() ({
      %run_scoped3A = tpu.sem_alloc : memref<!tpu.dma_semaphore, #tpu.memory_space<semaphore_mem>>
      %dma_start3A = arith.constant 0 : i32
      %dma_start3A_50 = arith.constant 0 : i32
      %dma_start3A_51 = tpu.memref_slice %arg4[%add3A, %dma_start3A, %dma_start3A_50] : memref<32x79x128xi32, #tpu.memory_space<hbm>> -> memref<1x79x128xi32, #tpu.memory_space<hbm>>
      %dma_start3A_52 = tpu.memref_squeeze %dma_start3A_51 : memref<1x79x128xi32, #tpu.memory_space<hbm>> -> memref<79x128xi32, #tpu.memory_space<hbm>>
      %dma_start3A_53 = arith.constant 0 : i32
      %dma_start3A_54 = arith.constant 0 : i32
      %dma_start3A_55 = tpu.memref_slice %arg4[%add3A, %dma_start3A_53, %dma_start3A_54] : memref<32x79x128xi32, #tpu.memory_space<hbm>> -> memref<1x79x128xi32, #tpu.memory_space<hbm>>
      %dma_start3A_56 = tpu.memref_squeeze %dma_start3A_55 : memref<1x79x128xi32, #tpu.memory_space<hbm>> -> memref<79x128xi32, #tpu.memory_space<hbm>>
      tpu.enqueue_dma source(%dma_start3A_56 : memref<79x128xi32, #tpu.memory_space<hbm>>) target(%arg8 : memref<79x128xi32, #tpu.memory_space<vmem>>) target_semaphore(%run_scoped3A : memref<!tpu.dma_semaphore, #tpu.memory_space<semaphore_mem>>)
      %dma_wait3A = arith.constant 0 : i32
      %dma_wait3A_57 = arith.constant 0 : i32
      %dma_wait3A_58 = tpu.memref_slice %arg4[%add3A, %dma_wait3A, %dma_wait3A_57] : memref<32x79x128xi32, #tpu.memory_space<hbm>> -> memref<1x79x128xi32, #tpu.memory_space<hbm>>
      %dma_wait3A_59 = tpu.memref_squeeze %dma_wait3A_58 : memref<1x79x128xi32, #tpu.memory_space<hbm>> -> memref<79x128xi32, #tpu.memory_space<hbm>>
      %dma_wait3A_60 = arith.constant 0 : i32
      %dma_wait3A_61 = arith.constant 0 : i32
      %dma_wait3A_62 = tpu.memref_slice %arg4[%add3A, %dma_wait3A_60, %dma_wait3A_61] : memref<32x79x128xi32, #tpu.memory_space<hbm>> -> memref<1x79x128xi32, #tpu.memory_space<hbm>>
      %dma_wait3A_63 = tpu.memref_squeeze %dma_wait3A_62 : memref<1x79x128xi32, #tpu.memory_space<hbm>> -> memref<79x128xi32, #tpu.memory_space<hbm>>
      tpu.wait_dma2 semaphore(%run_scoped3A : memref<!tpu.dma_semaphore, #tpu.memory_space<semaphore_mem>>) src(%dma_wait3A_63 : memref<79x128xi32, #tpu.memory_space<hbm>>) dst(%arg8 : memref<79x128xi32, #tpu.memory_space<vmem>>)
      tpu.yield
    }) : () -> ()
    %broadcast_in_dim3A = arith.constant 0.000000e+00 : f32
    %broadcast_in_dim3A_1 = vector.broadcast %broadcast_in_dim3A : f32 to vector<16xf32>
    %mul3A_2 = arith.constant 640 : i32
    %mul3A_3 = arith.muli %arg1, %mul3A_2 : i32
    %scan3A = arith.constant 0 : i32
    %scan3A_4 = arith.constant 0 : i32
    %scan3A_5 = arith.constant 128 : i32
    %scan3A_6 = arith.addi %scan3A_4, %scan3A_5 : i32
    %scan3A_7 = arith.constant 1 : i32
    scf.for %scan3A_50 = %scan3A_4 to %scan3A_6 step %scan3A_7  : i32 {
      %swap3A = arith.index_cast %scan3A_50 : i32 to index
      %swap3A_51 = arith.constant 0 : index
      %swap3A_52 = tpu.vector_load %arg9[%swap3A, %swap3A_51] {strides = array<i32>} : memref<128x64xf32, #tpu.memory_space<vmem>>, vector<1x16xf32>,
      %swap3A_53 = vector.shape_cast %swap3A_52 : vector<1x16xf32> to vector<16xf32>
      %swap3A_54 = vector.shape_cast %broadcast_in_dim3A_1 : vector<16xf32> to vector<1x16xf32>
      tpu.vector_store %arg9[%swap3A, %swap3A_51], %swap3A_54 {strides = array<i32>} : memref<128x64xf32, #tpu.memory_space<vmem>>, vector<1x16xf32>,
      %swap3A_55 = arith.index_cast %scan3A_50 : i32 to index
      %swap3A_56 = arith.constant 16 : index
      %swap3A_57 = tpu.vector_load %arg9[%swap3A_55, %swap3A_56] {strides = array<i32>} : memref<128x64xf32, #tpu.memory_space<vmem>>, vector<1x16xf32>,
      %swap3A_58 = vector.shape_cast %swap3A_57 : vector<1x16xf32> to vector<16xf32>
      %swap3A_59 = vector.shape_cast %broadcast_in_dim3A_1 : vector<16xf32> to vector<1x16xf32>
      tpu.vector_store %arg9[%swap3A_55, %swap3A_56], %swap3A_59 {strides = array<i32>} : memref<128x64xf32, #tpu.memory_space<vmem>>, vector<1x16xf32>,
      %swap3A_60 = arith.index_cast %scan3A_50 : i32 to index
      %swap3A_61 = arith.constant 32 : index
      %swap3A_62 = tpu.vector_load %arg9[%swap3A_60, %swap3A_61] {strides = array<i32>} : memref<128x64xf32, #tpu.memory_space<vmem>>, vector<1x16xf32>,
      %swap3A_63 = vector.shape_cast %swap3A_62 : vector<1x16xf32> to vector<16xf32>
      %swap3A_64 = vector.shape_cast %broadcast_in_dim3A_1 : vector<16xf32> to vector<1x16xf32>
      tpu.vector_store %arg9[%swap3A_60, %swap3A_61], %swap3A_64 {strides = array<i32>} : memref<128x64xf32, #tpu.memory_space<vmem>>, vector<1x16xf32>,
      %swap3A_65 = arith.index_cast %scan3A_50 : i32 to index
      %swap3A_66 = arith.constant 48 : index
      %swap3A_67 = tpu.vector_load %arg9[%swap3A_65, %swap3A_66] {strides = array<i32>} : memref<128x64xf32, #tpu.memory_space<vmem>>, vector<1x16xf32>,
      %swap3A_68 = vector.shape_cast %swap3A_67 : vector<1x16xf32> to vector<16xf32>
      %swap3A_69 = vector.shape_cast %broadcast_in_dim3A_1 : vector<16xf32> to vector<1x16xf32>
      tpu.vector_store %arg9[%swap3A_65, %swap3A_66], %swap3A_69 {strides = array<i32>} : memref<128x64xf32, #tpu.memory_space<vmem>>, vector<1x16xf32>,
    }
    %scan3A_8 = arith.constant 128 : i32
    %add3A_9 = arith.constant 0 : i32
    %add3A_10 = arith.addi %mul3A_3, %add3A_9 : i32
    "tpu.region"() ({
      %run_scoped3A = tpu.sem_alloc : memref<!tpu.dma_semaphore, #tpu.memory_space<semaphore_mem>>
      %dma_start3A = arith.constant 0 : i32
      %dma_start3A_50 = tpu.memref_slice %arg10[%add3A_10, %dma_start3A] : memref<10240x64xf32, #tpu.memory_space<vmem_shared>> -> memref<128x64xf32, #tpu.memory_space<vmem_shared>>
      %dma_start3A_51 = arith.constant 0 : i32
      %dma_start3A_52 = tpu.memref_slice %arg10[%add3A_10, %dma_start3A_51] : memref<10240x64xf32, #tpu.memory_space<vmem_shared>> -> memref<128x64xf32, #tpu.memory_space<vmem_shared>>
      tpu.enqueue_dma source(%arg9 : memref<128x64xf32, #tpu.memory_space<vmem>>) target(%dma_start3A_52 : memref<128x64xf32, #tpu.memory_space<vmem_shared>>) target_semaphore(%run_scoped3A : memref<!tpu.dma_semaphore, #tpu.memory_space<semaphore_mem>>)
      %dma_wait3A = arith.constant 0 : i32
      %dma_wait3A_53 = tpu.memref_slice %arg10[%add3A_10, %dma_wait3A] : memref<10240x64xf32, #tpu.memory_space<vmem_shared>> -> memref<128x64xf32, #tpu.memory_space<vmem_shared>>
      %dma_wait3A_54 = arith.constant 0 : i32
      %dma_wait3A_55 = tpu.memref_slice %arg10[%add3A_10, %dma_wait3A_54] : memref<10240x64xf32, #tpu.memory_space<vmem_shared>> -> memref<128x64xf32, #tpu.memory_space<vmem_shared>>
      tpu.wait_dma2 semaphore(%run_scoped3A : memref<!tpu.dma_semaphore, #tpu.memory_space<semaphore_mem>>) src(%arg9 : memref<128x64xf32, #tpu.memory_space<vmem>>) dst(%dma_wait3A_55 : memref<128x64xf32, #tpu.memory_space<vmem_shared>>)
      tpu.yield
    }) : () -> ()
    %add3A_11 = arith.constant 128 : i32
    %add3A_12 = arith.addi %mul3A_3, %add3A_11 : i32
    "tpu.region"() ({
      %run_scoped3A = tpu.sem_alloc : memref<!tpu.dma_semaphore, #tpu.memory_space<semaphore_mem>>
      %dma_start3A = arith.constant 0 : i32
      %dma_start3A_50 = tpu.memref_slice %arg10[%add3A_12, %dma_start3A] : memref<10240x64xf32, #tpu.memory_space<vmem_shared>> -> memref<128x64xf32, #tpu.memory_space<vmem_shared>>
      %dma_start3A_51 = arith.constant 0 : i32
      %dma_start3A_52 = tpu.memref_slice %arg10[%add3A_12, %dma_start3A_51] : memref<10240x64xf32, #tpu.memory_space<vmem_shared>> -> memref<128x64xf32, #tpu.memory_space<vmem_shared>>
      tpu.enqueue_dma source(%arg9 : memref<128x64xf32, #tpu.memory_space<vmem>>) target(%dma_start3A_52 : memref<128x64xf32, #tpu.memory_space<vmem_shared>>) target_semaphore(%run_scoped3A : memref<!tpu.dma_semaphore, #tpu.memory_space<semaphore_mem>>)
      %dma_wait3A = arith.constant 0 : i32
      %dma_wait3A_53 = tpu.memref_slice %arg10[%add3A_12, %dma_wait3A] : memref<10240x64xf32, #tpu.memory_space<vmem_shared>> -> memref<128x64xf32, #tpu.memory_space<vmem_shared>>
      %dma_wait3A_54 = arith.constant 0 : i32
      %dma_wait3A_55 = tpu.memref_slice %arg10[%add3A_12, %dma_wait3A_54] : memref<10240x64xf32, #tpu.memory_space<vmem_shared>> -> memref<128x64xf32, #tpu.memory_space<vmem_shared>>
      tpu.wait_dma2 semaphore(%run_scoped3A : memref<!tpu.dma_semaphore, #tpu.memory_space<semaphore_mem>>) src(%arg9 : memref<128x64xf32, #tpu.memory_space<vmem>>) dst(%dma_wait3A_55 : memref<128x64xf32, #tpu.memory_space<vmem_shared>>)
      tpu.yield
    }) : () -> ()
    %add3A_13 = arith.constant 256 : i32
    %add3A_14 = arith.addi %mul3A_3, %add3A_13 : i32
    "tpu.region"() ({
      %run_scoped3A = tpu.sem_alloc : memref<!tpu.dma_semaphore, #tpu.memory_space<semaphore_mem>>
      %dma_start3A = arith.constant 0 : i32
      %dma_start3A_50 = tpu.memref_slice %arg10[%add3A_14, %dma_start3A] : memref<10240x64xf32, #tpu.memory_space<vmem_shared>> -> memref<128x64xf32, #tpu.memory_space<vmem_shared>>
      %dma_start3A_51 = arith.constant 0 : i32
      %dma_start3A_52 = tpu.memref_slice %arg10[%add3A_14, %dma_start3A_51] : memref<10240x64xf32, #tpu.memory_space<vmem_shared>> -> memref<128x64xf32, #tpu.memory_space<vmem_shared>>
      tpu.enqueue_dma source(%arg9 : memref<128x64xf32, #tpu.memory_space<vmem>>) target(%dma_start3A_52 : memref<128x64xf32, #tpu.memory_space<vmem_shared>>) target_semaphore(%run_scoped3A : memref<!tpu.dma_semaphore, #tpu.memory_space<semaphore_mem>>)
      %dma_wait3A = arith.constant 0 : i32
      %dma_wait3A_53 = tpu.memref_slice %arg10[%add3A_14, %dma_wait3A] : memref<10240x64xf32, #tpu.memory_space<vmem_shared>> -> memref<128x64xf32, #tpu.memory_space<vmem_shared>>
      %dma_wait3A_54 = arith.constant 0 : i32
      %dma_wait3A_55 = tpu.memref_slice %arg10[%add3A_14, %dma_wait3A_54] : memref<10240x64xf32, #tpu.memory_space<vmem_shared>> -> memref<128x64xf32, #tpu.memory_space<vmem_shared>>
      tpu.wait_dma2 semaphore(%run_scoped3A : memref<!tpu.dma_semaphore, #tpu.memory_space<semaphore_mem>>) src(%arg9 : memref<128x64xf32, #tpu.memory_space<vmem>>) dst(%dma_wait3A_55 : memref<128x64xf32, #tpu.memory_space<vmem_shared>>)
      tpu.yield
    }) : () -> ()
    %add3A_15 = arith.constant 384 : i32
    %add3A_16 = arith.addi %mul3A_3, %add3A_15 : i32
    "tpu.region"() ({
      %run_scoped3A = tpu.sem_alloc : memref<!tpu.dma_semaphore, #tpu.memory_space<semaphore_mem>>
      %dma_start3A = arith.constant 0 : i32
      %dma_start3A_50 = tpu.memref_slice %arg10[%add3A_16, %dma_start3A] : memref<10240x64xf32, #tpu.memory_space<vmem_shared>> -> memref<128x64xf32, #tpu.memory_space<vmem_shared>>
      %dma_start3A_51 = arith.constant 0 : i32
      %dma_start3A_52 = tpu.memref_slice %arg10[%add3A_16, %dma_start3A_51] : memref<10240x64xf32, #tpu.memory_space<vmem_shared>> -> memref<128x64xf32, #tpu.memory_space<vmem_shared>>
      tpu.enqueue_dma source(%arg9 : memref<128x64xf32, #tpu.memory_space<vmem>>) target(%dma_start3A_52 : memref<128x64xf32, #tpu.memory_space<vmem_shared>>) target_semaphore(%run_scoped3A : memref<!tpu.dma_semaphore, #tpu.memory_space<semaphore_mem>>)
      %dma_wait3A = arith.constant 0 : i32
      %dma_wait3A_53 = tpu.memref_slice %arg10[%add3A_16, %dma_wait3A] : memref<10240x64xf32, #tpu.memory_space<vmem_shared>> -> memref<128x64xf32, #tpu.memory_space<vmem_shared>>
      %dma_wait3A_54 = arith.constant 0 : i32
      %dma_wait3A_55 = tpu.memref_slice %arg10[%add3A_16, %dma_wait3A_54] : memref<10240x64xf32, #tpu.memory_space<vmem_shared>> -> memref<128x64xf32, #tpu.memory_space<vmem_shared>>
      tpu.wait_dma2 semaphore(%run_scoped3A : memref<!tpu.dma_semaphore, #tpu.memory_space<semaphore_mem>>) src(%arg9 : memref<128x64xf32, #tpu.memory_space<vmem>>) dst(%dma_wait3A_55 : memref<128x64xf32, #tpu.memory_space<vmem_shared>>)
      tpu.yield
    }) : () -> ()
    %add3A_17 = arith.constant 512 : i32
    %add3A_18 = arith.addi %mul3A_3, %add3A_17 : i32
    "tpu.region"() ({
      %run_scoped3A = tpu.sem_alloc : memref<!tpu.dma_semaphore, #tpu.memory_space<semaphore_mem>>
      %dma_start3A = arith.constant 0 : i32
      %dma_start3A_50 = tpu.memref_slice %arg10[%add3A_18, %dma_start3A] : memref<10240x64xf32, #tpu.memory_space<vmem_shared>> -> memref<128x64xf32, #tpu.memory_space<vmem_shared>>
      %dma_start3A_51 = arith.constant 0 : i32
      %dma_start3A_52 = tpu.memref_slice %arg10[%add3A_18, %dma_start3A_51] : memref<10240x64xf32, #tpu.memory_space<vmem_shared>> -> memref<128x64xf32, #tpu.memory_space<vmem_shared>>
      tpu.enqueue_dma source(%arg9 : memref<128x64xf32, #tpu.memory_space<vmem>>) target(%dma_start3A_52 : memref<128x64xf32, #tpu.memory_space<vmem_shared>>) target_semaphore(%run_scoped3A : memref<!tpu.dma_semaphore, #tpu.memory_space<semaphore_mem>>)
      %dma_wait3A = arith.constant 0 : i32
      %dma_wait3A_53 = tpu.memref_slice %arg10[%add3A_18, %dma_wait3A] : memref<10240x64xf32, #tpu.memory_space<vmem_shared>> -> memref<128x64xf32, #tpu.memory_space<vmem_shared>>
      %dma_wait3A_54 = arith.constant 0 : i32
      %dma_wait3A_55 = tpu.memref_slice %arg10[%add3A_18, %dma_wait3A_54] : memref<10240x64xf32, #tpu.memory_space<vmem_shared>> -> memref<128x64xf32, #tpu.memory_space<vmem_shared>>
      tpu.wait_dma2 semaphore(%run_scoped3A : memref<!tpu.dma_semaphore, #tpu.memory_space<semaphore_mem>>) src(%arg9 : memref<128x64xf32, #tpu.memory_space<vmem>>) dst(%dma_wait3A_55 : memref<128x64xf32, #tpu.memory_space<vmem_shared>>)
      tpu.yield
    }) : () -> ()
    %scan3A_19 = arith.constant 0 : i32
    %scan3A_20 = arith.constant 0 : i32
    %scan3A_21 = arith.constant 128 : i32
    %scan3A_22 = arith.addi %scan3A_20, %scan3A_21 : i32
    %scan3A_23 = arith.constant 1 : i32
    scf.for %scan3A_50 = %scan3A_20 to %scan3A_22 step %scan3A_23  : i32 {
      %swap3A = arith.index_cast %scan3A_50 : i32 to index
      %swap3A_51 = arith.constant 0 : index
      %swap3A_52 = tpu.vector_load %arg12[%swap3A, %swap3A_51] {strides = array<i32>} : memref<128x16xf32, #tpu.memory_space<vmem>>, vector<1x16xf32>,
      %swap3A_53 = vector.shape_cast %swap3A_52 : vector<1x16xf32> to vector<16xf32>
      %swap3A_54 = vector.shape_cast %broadcast_in_dim3A_1 : vector<16xf32> to vector<1x16xf32>
      tpu.vector_store %arg12[%swap3A, %swap3A_51], %swap3A_54 {strides = array<i32>} : memref<128x16xf32, #tpu.memory_space<vmem>>, vector<1x16xf32>,
    }
    %scan3A_24 = arith.constant 128 : i32
    %add3A_25 = arith.constant 0 : i32
    %add3A_26 = arith.addi %mul3A_3, %add3A_25 : i32
    "tpu.region"() ({
      %run_scoped3A = tpu.sem_alloc : memref<!tpu.dma_semaphore, #tpu.memory_space<semaphore_mem>>
      %dma_start3A = arith.constant 0 : i32
      %dma_start3A_50 = tpu.memref_slice %arg13[%add3A_26, %dma_start3A] : memref<10240x16xf32, #tpu.memory_space<vmem_shared>> -> memref<128x16xf32, #tpu.memory_space<vmem_shared>>
      %dma_start3A_51 = arith.constant 0 : i32
      %dma_start3A_52 = tpu.memref_slice %arg13[%add3A_26, %dma_start3A_51] : memref<10240x16xf32, #tpu.memory_space<vmem_shared>> -> memref<128x16xf32, #tpu.memory_space<vmem_shared>>
      tpu.enqueue_dma source(%arg12 : memref<128x16xf32, #tpu.memory_space<vmem>>) target(%dma_start3A_52 : memref<128x16xf32, #tpu.memory_space<vmem_shared>>) target_semaphore(%run_scoped3A : memref<!tpu.dma_semaphore, #tpu.memory_space<semaphore_mem>>)
      %dma_wait3A = arith.constant 0 : i32
      %dma_wait3A_53 = tpu.memref_slice %arg13[%add3A_26, %dma_wait3A] : memref<10240x16xf32, #tpu.memory_space<vmem_shared>> -> memref<128x16xf32, #tpu.memory_space<vmem_shared>>
      %dma_wait3A_54 = arith.constant 0 : i32
      %dma_wait3A_55 = tpu.memref_slice %arg13[%add3A_26, %dma_wait3A_54] : memref<10240x16xf32, #tpu.memory_space<vmem_shared>> -> memref<128x16xf32, #tpu.memory_space<vmem_shared>>
      tpu.wait_dma2 semaphore(%run_scoped3A : memref<!tpu.dma_semaphore, #tpu.memory_space<semaphore_mem>>) src(%arg12 : memref<128x16xf32, #tpu.memory_space<vmem>>) dst(%dma_wait3A_55 : memref<128x16xf32, #tpu.memory_space<vmem_shared>>)
      tpu.yield
    }) : () -> ()
    %add3A_27 = arith.constant 128 : i32
    %add3A_28 = arith.addi %mul3A_3, %add3A_27 : i32
    "tpu.region"() ({
      %run_scoped3A = tpu.sem_alloc : memref<!tpu.dma_semaphore, #tpu.memory_space<semaphore_mem>>
      %dma_start3A = arith.constant 0 : i32
      %dma_start3A_50 = tpu.memref_slice %arg13[%add3A_28, %dma_start3A] : memref<10240x16xf32, #tpu.memory_space<vmem_shared>> -> memref<128x16xf32, #tpu.memory_space<vmem_shared>>
      %dma_start3A_51 = arith.constant 0 : i32
      %dma_start3A_52 = tpu.memref_slice %arg13[%add3A_28, %dma_start3A_51] : memref<10240x16xf32, #tpu.memory_space<vmem_shared>> -> memref<128x16xf32, #tpu.memory_space<vmem_shared>>
      tpu.enqueue_dma source(%arg12 : memref<128x16xf32, #tpu.memory_space<vmem>>) target(%dma_start3A_52 : memref<128x16xf32, #tpu.memory_space<vmem_shared>>) target_semaphore(%run_scoped3A : memref<!tpu.dma_semaphore, #tpu.memory_space<semaphore_mem>>)
      %dma_wait3A = arith.constant 0 : i32
      %dma_wait3A_53 = tpu.memref_slice %arg13[%add3A_28, %dma_wait3A] : memref<10240x16xf32, #tpu.memory_space<vmem_shared>> -> memref<128x16xf32, #tpu.memory_space<vmem_shared>>
      %dma_wait3A_54 = arith.constant 0 : i32
      %dma_wait3A_55 = tpu.memref_slice %arg13[%add3A_28, %dma_wait3A_54] : memref<10240x16xf32, #tpu.memory_space<vmem_shared>> -> memref<128x16xf32, #tpu.memory_space<vmem_shared>>
      tpu.wait_dma2 semaphore(%run_scoped3A : memref<!tpu.dma_semaphore, #tpu.memory_space<semaphore_mem>>) src(%arg12 : memref<128x16xf32, #tpu.memory_space<vmem>>) dst(%dma_wait3A_55 : memref<128x16xf32, #tpu.memory_space<vmem_shared>>)
      tpu.yield
    }) : () -> ()
    %add3A_29 = arith.constant 256 : i32
    %add3A_30 = arith.addi %mul3A_3, %add3A_29 : i32
    "tpu.region"() ({
      %run_scoped3A = tpu.sem_alloc : memref<!tpu.dma_semaphore, #tpu.memory_space<semaphore_mem>>
      %dma_start3A = arith.constant 0 : i32
      %dma_start3A_50 = tpu.memref_slice %arg13[%add3A_30, %dma_start3A] : memref<10240x16xf32, #tpu.memory_space<vmem_shared>> -> memref<128x16xf32, #tpu.memory_space<vmem_shared>>
      %dma_start3A_51 = arith.constant 0 : i32
      %dma_start3A_52 = tpu.memref_slice %arg13[%add3A_30, %dma_start3A_51] : memref<10240x16xf32, #tpu.memory_space<vmem_shared>> -> memref<128x16xf32, #tpu.memory_space<vmem_shared>>
      tpu.enqueue_dma source(%arg12 : memref<128x16xf32, #tpu.memory_space<vmem>>) target(%dma_start3A_52 : memref<128x16xf32, #tpu.memory_space<vmem_shared>>) target_semaphore(%run_scoped3A : memref<!tpu.dma_semaphore, #tpu.memory_space<semaphore_mem>>)
      %dma_wait3A = arith.constant 0 : i32
      %dma_wait3A_53 = tpu.memref_slice %arg13[%add3A_30, %dma_wait3A] : memref<10240x16xf32, #tpu.memory_space<vmem_shared>> -> memref<128x16xf32, #tpu.memory_space<vmem_shared>>
      %dma_wait3A_54 = arith.constant 0 : i32
      %dma_wait3A_55 = tpu.memref_slice %arg13[%add3A_30, %dma_wait3A_54] : memref<10240x16xf32, #tpu.memory_space<vmem_shared>> -> memref<128x16xf32, #tpu.memory_space<vmem_shared>>
      tpu.wait_dma2 semaphore(%run_scoped3A : memref<!tpu.dma_semaphore, #tpu.memory_space<semaphore_mem>>) src(%arg12 : memref<128x16xf32, #tpu.memory_space<vmem>>) dst(%dma_wait3A_55 : memref<128x16xf32, #tpu.memory_space<vmem_shared>>)
      tpu.yield
    }) : () -> ()
    %add3A_31 = arith.constant 384 : i32
    %add3A_32 = arith.addi %mul3A_3, %add3A_31 : i32
    "tpu.region"() ({
      %run_scoped3A = tpu.sem_alloc : memref<!tpu.dma_semaphore, #tpu.memory_space<semaphore_mem>>
      %dma_start3A = arith.constant 0 : i32
      %dma_start3A_50 = tpu.memref_slice %arg13[%add3A_32, %dma_start3A] : memref<10240x16xf32, #tpu.memory_space<vmem_shared>> -> memref<128x16xf32, #tpu.memory_space<vmem_shared>>
      %dma_start3A_51 = arith.constant 0 : i32
      %dma_start3A_52 = tpu.memref_slice %arg13[%add3A_32, %dma_start3A_51] : memref<10240x16xf32, #tpu.memory_space<vmem_shared>> -> memref<128x16xf32, #tpu.memory_space<vmem_shared>>
      tpu.enqueue_dma source(%arg12 : memref<128x16xf32, #tpu.memory_space<vmem>>) target(%dma_start3A_52 : memref<128x16xf32, #tpu.memory_space<vmem_shared>>) target_semaphore(%run_scoped3A : memref<!tpu.dma_semaphore, #tpu.memory_space<semaphore_mem>>)
      %dma_wait3A = arith.constant 0 : i32
      %dma_wait3A_53 = tpu.memref_slice %arg13[%add3A_32, %dma_wait3A] : memref<10240x16xf32, #tpu.memory_space<vmem_shared>> -> memref<128x16xf32, #tpu.memory_space<vmem_shared>>
      %dma_wait3A_54 = arith.constant 0 : i32
      %dma_wait3A_55 = tpu.memref_slice %arg13[%add3A_32, %dma_wait3A_54] : memref<10240x16xf32, #tpu.memory_space<vmem_shared>> -> memref<128x16xf32, #tpu.memory_space<vmem_shared>>
      tpu.wait_dma2 semaphore(%run_scoped3A : memref<!tpu.dma_semaphore, #tpu.memory_space<semaphore_mem>>) src(%arg12 : memref<128x16xf32, #tpu.memory_space<vmem>>) dst(%dma_wait3A_55 : memref<128x16xf32, #tpu.memory_space<vmem_shared>>)
      tpu.yield
    }) : () -> ()
    %add3A_33 = arith.constant 512 : i32
    %add3A_34 = arith.addi %mul3A_3, %add3A_33 : i32
    "tpu.region"() ({
      %run_scoped3A = tpu.sem_alloc : memref<!tpu.dma_semaphore, #tpu.memory_space<semaphore_mem>>
      %dma_start3A = arith.constant 0 : i32
      %dma_start3A_50 = tpu.memref_slice %arg13[%add3A_34, %dma_start3A] : memref<10240x16xf32, #tpu.memory_space<vmem_shared>> -> memref<128x16xf32, #tpu.memory_space<vmem_shared>>
      %dma_start3A_51 = arith.constant 0 : i32
      %dma_start3A_52 = tpu.memref_slice %arg13[%add3A_34, %dma_start3A_51] : memref<10240x16xf32, #tpu.memory_space<vmem_shared>> -> memref<128x16xf32, #tpu.memory_space<vmem_shared>>
      tpu.enqueue_dma source(%arg12 : memref<128x16xf32, #tpu.memory_space<vmem>>) target(%dma_start3A_52 : memref<128x16xf32, #tpu.memory_space<vmem_shared>>) target_semaphore(%run_scoped3A : memref<!tpu.dma_semaphore, #tpu.memory_space<semaphore_mem>>)
      %dma_wait3A = arith.constant 0 : i32
      %dma_wait3A_53 = tpu.memref_slice %arg13[%add3A_34, %dma_wait3A] : memref<10240x16xf32, #tpu.memory_space<vmem_shared>> -> memref<128x16xf32, #tpu.memory_space<vmem_shared>>
      %dma_wait3A_54 = arith.constant 0 : i32
      %dma_wait3A_55 = tpu.memref_slice %arg13[%add3A_34, %dma_wait3A_54] : memref<10240x16xf32, #tpu.memory_space<vmem_shared>> -> memref<128x16xf32, #tpu.memory_space<vmem_shared>>
      tpu.wait_dma2 semaphore(%run_scoped3A : memref<!tpu.dma_semaphore, #tpu.memory_space<semaphore_mem>>) src(%arg12 : memref<128x16xf32, #tpu.memory_space<vmem>>) dst(%dma_wait3A_55 : memref<128x16xf32, #tpu.memory_space<vmem_shared>>)
      tpu.yield
    }) : () -> ()
    %broadcast_in_dim3A_35 = arith.constant 1.000000e+00 : f32
    %broadcast_in_dim3A_36 = vector.broadcast %broadcast_in_dim3A_35 : f32 to vector<16xf32>
    %scan3A_37 = arith.constant 0 : i32
    %scan3A_38 = arith.constant 0 : i32
    %scan3A_39 = arith.constant 128 : i32
    %scan3A_40 = arith.addi %scan3A_38, %scan3A_39 : i32
    %scan3A_41 = arith.constant 1 : i32
    scf.for %scan3A_50 = %scan3A_38 to %scan3A_40 step %scan3A_41  : i32 {
      %swap3A = arith.index_cast %scan3A_50 : i32 to index
      %swap3A_51 = arith.constant 0 : index
      %swap3A_52 = tpu.vector_load %arg12[%swap3A, %swap3A_51] {strides = array<i32>} : memref<128x16xf32, #tpu.memory_space<vmem>>, vector<1x16xf32>,
      %swap3A_53 = vector.shape_cast %swap3A_52 : vector<1x16xf32> to vector<16xf32>
      %swap3A_54 = vector.shape_cast %broadcast_in_dim3A_36 : vector<16xf32> to vector<1x16xf32>
      tpu.vector_store %arg12[%swap3A, %swap3A_51], %swap3A_54 {strides = array<i32>} : memref<128x16xf32, #tpu.memory_space<vmem>>, vector<1x16xf32>,
    }
    %scan3A_42 = arith.constant 128 : i32
    %barrier3A = arith.constant 0 : index
    tpu.barrier barrier_id(%barrier3A)
    %scan3A_43 = arith.constant 0 : i32
    %scan3A_44 = arith.constant 0 : i32
    %scan3A_45 = arith.constant 79 : i32
    %scan3A_46 = arith.addi %scan3A_44, %scan3A_45 : i32
    %scan3A_47 = arith.constant 1 : i32
    scf.for %scan3A_50 = %scan3A_44 to %scan3A_46 step %scan3A_47  : i32 {
      %dma_start3A = arith.constant 0 : i32
      %dma_start3A_51 = tpu.memref_slice %arg7[%scan3A_50, %dma_start3A] : memref<79x128xi32, #tpu.memory_space<vmem>> -> memref<1x128xi32, #tpu.memory_space<vmem>>
      %dma_start3A_52 = tpu.memref_squeeze %dma_start3A_51 : memref<1x128xi32, #tpu.memory_space<vmem>> -> memref<128xi32, #tpu.memory_space<vmem>>
      %dma_start3A_53 = arith.constant 0 : i32
      %dma_start3A_54 = arith.constant 0 : i32
      %dma_start3A_55 = tpu.memref_slice %arg2[%dma_start3A_53, %dma_start3A_54] : memref<10000x64xf32, #tpu.memory_space<hbm>> -> memref<10000x64xf32, #tpu.memory_space<hbm>>
      tpu.enqueue_indirect_dma source(%dma_start3A_55 : memref<10000x64xf32, #tpu.memory_space<hbm>>) target(%arg9 : memref<128x64xf32, #tpu.memory_space<vmem>>) offsets(%dma_start3A_52 : memref<128xi32, #tpu.memory_space<vmem>>) semaphore(%arg11 : memref<!tpu.dma_semaphore, #tpu.memory_space<semaphore_mem>>)
      %dma_wait3A = arith.constant 0 : i32
      %dma_wait3A_56 = tpu.memref_slice %arg7[%scan3A_50, %dma_wait3A] : memref<79x128xi32, #tpu.memory_space<vmem>> -> memref<1x128xi32, #tpu.memory_space<vmem>>
      %dma_wait3A_57 = tpu.memref_squeeze %dma_wait3A_56 : memref<1x128xi32, #tpu.memory_space<vmem>> -> memref<128xi32, #tpu.memory_space<vmem>>
      %dma_wait3A_58 = arith.constant 0 : i32
      %dma_wait3A_59 = arith.constant 0 : i32
      %dma_wait3A_60 = tpu.memref_slice %arg2[%dma_wait3A_58, %dma_wait3A_59] : memref<10000x64xf32, #tpu.memory_space<hbm>> -> memref<10000x64xf32, #tpu.memory_space<hbm>>
      tpu.wait_indirect_dma semaphore(%arg11 : memref<!tpu.dma_semaphore, #tpu.memory_space<semaphore_mem>>) src(%dma_wait3A_60 : memref<10000x64xf32, #tpu.memory_space<hbm>>) dst(%arg9 : memref<128x64xf32, #tpu.memory_space<vmem>>)
      "tpu.region"() ({
        %run_scoped3A = tpu.sem_alloc : memref<!tpu.dma_semaphore, #tpu.memory_space<semaphore_mem>>
        %dma_start3A_61 = arith.constant 0 : i32
        %dma_start3A_62 = tpu.memref_slice %arg8[%scan3A_50, %dma_start3A_61] : memref<79x128xi32, #tpu.memory_space<vmem>> -> memref<1x128xi32, #tpu.memory_space<vmem>>
        %dma_start3A_63 = tpu.memref_squeeze %dma_start3A_62 : memref<1x128xi32, #tpu.memory_space<vmem>> -> memref<128xi32, #tpu.memory_space<vmem>>
        %dma_start3A_64 = arith.constant 0 : i32
        %dma_start3A_65 = arith.constant 0 : i32
        %dma_start3A_66 = tpu.memref_slice %arg10[%dma_start3A_64, %dma_start3A_65] : memref<10240x64xf32, #tpu.memory_space<vmem_shared>> -> memref<10240x64xf32, #tpu.memory_space<vmem_shared>>
        tpu.enqueue_indirect_dma source(%arg9 : memref<128x64xf32, #tpu.memory_space<vmem>>) target(%dma_start3A_66 : memref<10240x64xf32, #tpu.memory_space<vmem_shared>>) offsets(%dma_start3A_63 : memref<128xi32, #tpu.memory_space<vmem>>) semaphore(%run_scoped3A : memref<!tpu.dma_semaphore, #tpu.memory_space<semaphore_mem>>) {add = true}
        %dma_wait3A_67 = arith.constant 0 : i32
        %dma_wait3A_68 = tpu.memref_slice %arg8[%scan3A_50, %dma_wait3A_67] : memref<79x128xi32, #tpu.memory_space<vmem>> -> memref<1x128xi32, #tpu.memory_space<vmem>>
        %dma_wait3A_69 = tpu.memref_squeeze %dma_wait3A_68 : memref<1x128xi32, #tpu.memory_space<vmem>> -> memref<128xi32, #tpu.memory_space<vmem>>
        %dma_wait3A_70 = arith.constant 0 : i32
        %dma_wait3A_71 = arith.constant 0 : i32
        %dma_wait3A_72 = tpu.memref_slice %arg10[%dma_wait3A_70, %dma_wait3A_71] : memref<10240x64xf32, #tpu.memory_space<vmem_shared>> -> memref<10240x64xf32, #tpu.memory_space<vmem_shared>>
        tpu.wait_indirect_dma semaphore(%run_scoped3A : memref<!tpu.dma_semaphore, #tpu.memory_space<semaphore_mem>>) src(%arg9 : memref<128x64xf32, #tpu.memory_space<vmem>>) dst(%dma_wait3A_72 : memref<10240x64xf32, #tpu.memory_space<vmem_shared>>)
        tpu.yield
      }) : () -> ()
      "tpu.region"() ({
        %run_scoped3A = tpu.sem_alloc : memref<!tpu.dma_semaphore, #tpu.memory_space<semaphore_mem>>
        %dma_start3A_61 = arith.constant 0 : i32
        %dma_start3A_62 = tpu.memref_slice %arg8[%scan3A_50, %dma_start3A_61] : memref<79x128xi32, #tpu.memory_space<vmem>> -> memref<1x128xi32, #tpu.memory_space<vmem>>
        %dma_start3A_63 = tpu.memref_squeeze %dma_start3A_62 : memref<1x128xi32, #tpu.memory_space<vmem>> -> memref<128xi32, #tpu.memory_space<vmem>>
        %dma_start3A_64 = arith.constant 0 : i32
        %dma_start3A_65 = arith.constant 0 : i32
        %dma_start3A_66 = tpu.memref_slice %arg13[%dma_start3A_64, %dma_start3A_65] : memref<10240x16xf32, #tpu.memory_space<vmem_shared>> -> memref<10240x16xf32, #tpu.memory_space<vmem_shared>>
        tpu.enqueue_indirect_dma source(%arg12 : memref<128x16xf32, #tpu.memory_space<vmem>>) target(%dma_start3A_66 : memref<10240x16xf32, #tpu.memory_space<vmem_shared>>) offsets(%dma_start3A_63 : memref<128xi32, #tpu.memory_space<vmem>>) semaphore(%run_scoped3A : memref<!tpu.dma_semaphore, #tpu.memory_space<semaphore_mem>>) {add = true}
        %dma_wait3A_67 = arith.constant 0 : i32
        %dma_wait3A_68 = tpu.memref_slice %arg8[%scan3A_50, %dma_wait3A_67] : memref<79x128xi32, #tpu.memory_space<vmem>> -> memref<1x128xi32, #tpu.memory_space<vmem>>
        %dma_wait3A_69 = tpu.memref_squeeze %dma_wait3A_68 : memref<1x128xi32, #tpu.memory_space<vmem>> -> memref<128xi32, #tpu.memory_space<vmem>>
        %dma_wait3A_70 = arith.constant 0 : i32
        %dma_wait3A_71 = arith.constant 0 : i32
        %dma_wait3A_72 = tpu.memref_slice %arg13[%dma_wait3A_70, %dma_wait3A_71] : memref<10240x16xf32, #tpu.memory_space<vmem_shared>> -> memref<10240x16xf32, #tpu.memory_space<vmem_shared>>
        tpu.wait_indirect_dma semaphore(%run_scoped3A : memref<!tpu.dma_semaphore, #tpu.memory_space<semaphore_mem>>) src(%arg12 : memref<128x16xf32, #tpu.memory_space<vmem>>) dst(%dma_wait3A_72 : memref<10240x16xf32, #tpu.memory_space<vmem_shared>>)
        tpu.yield
      }) : () -> ()
    }
    %scan3A_48 = arith.constant 79 : i32
    %barrier3A_49 = arith.constant 0 : index
    tpu.barrier barrier_id(%barrier3A_49)
    "tpu.region"() ({
      %run_scoped3A = tpu.sem_alloc : memref<!tpu.dma_semaphore, #tpu.memory_space<semaphore_mem>>
      %dma_start3A = arith.constant 0 : i32
      %dma_start3A_50 = tpu.memref_slice %arg5[%arg0, %mul3A_3, %dma_start3A] : memref<2x10240x64xf32, #tpu.memory_space<hbm>> -> memref<1x640x64xf32, #tpu.memory_space<hbm>>
      %dma_start3A_51 = tpu.memref_squeeze %dma_start3A_50 : memref<1x640x64xf32, #tpu.memory_space<hbm>> -> memref<640x64xf32, #tpu.memory_space<hbm>>
      %dma_start3A_52 = arith.constant 0 : i32
      %dma_start3A_53 = tpu.memref_slice %arg10[%mul3A_3, %dma_start3A_52] : memref<10240x64xf32, #tpu.memory_space<vmem_shared>> -> memref<640x64xf32, #tpu.memory_space<vmem_shared>>
      tpu.enqueue_dma source(%dma_start3A_53 : memref<640x64xf32, #tpu.memory_space<vmem_shared>>) target(%dma_start3A_51 : memref<640x64xf32, #tpu.memory_space<hbm>>) target_semaphore(%run_scoped3A : memref<!tpu.dma_semaphore, #tpu.memory_space<semaphore_mem>>)
      %dma_wait3A = arith.constant 0 : i32
      %dma_wait3A_54 = tpu.memref_slice %arg5[%arg0, %mul3A_3, %dma_wait3A] : memref<2x10240x64xf32, #tpu.memory_space<hbm>> -> memref<1x640x64xf32, #tpu.memory_space<hbm>>
      %dma_wait3A_55 = tpu.memref_squeeze %dma_wait3A_54 : memref<1x640x64xf32, #tpu.memory_space<hbm>> -> memref<640x64xf32, #tpu.memory_space<hbm>>
      %dma_wait3A_56 = arith.constant 0 : i32
      %dma_wait3A_57 = tpu.memref_slice %arg10[%mul3A_3, %dma_wait3A_56] : memref<10240x64xf32, #tpu.memory_space<vmem_shared>> -> memref<640x64xf32, #tpu.memory_space<vmem_shared>>
      tpu.wait_dma2 semaphore(%run_scoped3A : memref<!tpu.dma_semaphore, #tpu.memory_space<semaphore_mem>>) src(%dma_wait3A_57 : memref<640x64xf32, #tpu.memory_space<vmem_shared>>) dst(%dma_wait3A_55 : memref<640x64xf32, #tpu.memory_space<hbm>>)
      tpu.yield
    }) : () -> ()
    "tpu.region"() ({
      %run_scoped3A = tpu.sem_alloc : memref<!tpu.dma_semaphore, #tpu.memory_space<semaphore_mem>>
      %dma_start3A = arith.constant 0 : i32
      %dma_start3A_50 = tpu.memref_slice %arg6[%arg0, %mul3A_3, %dma_start3A] : memref<2x10240x16xf32, #tpu.memory_space<hbm>> -> memref<1x640x16xf32, #tpu.memory_space<hbm>>
      %dma_start3A_51 = tpu.memref_squeeze %dma_start3A_50 : memref<1x640x16xf32, #tpu.memory_space<hbm>> -> memref<640x16xf32, #tpu.memory_space<hbm>>
      %dma_start3A_52 = arith.constant 0 : i32
      %dma_start3A_53 = tpu.memref_slice %arg13[%mul3A_3, %dma_start3A_52] : memref<10240x16xf32, #tpu.memory_space<vmem_shared>> -> memref<640x16xf32, #tpu.memory_space<vmem_shared>>
      tpu.enqueue_dma source(%dma_start3A_53 : memref<640x16xf32, #tpu.memory_space<vmem_shared>>) target(%dma_start3A_51 : memref<640x16xf32, #tpu.memory_space<hbm>>) target_semaphore(%run_scoped3A : memref<!tpu.dma_semaphore, #tpu.memory_space<semaphore_mem>>)
      %dma_wait3A = arith.constant 0 : i32
      %dma_wait3A_54 = tpu.memref_slice %arg6[%arg0, %mul3A_3, %dma_wait3A] : memref<2x10240x16xf32, #tpu.memory_space<hbm>> -> memref<1x640x16xf32, #tpu.memory_space<hbm>>
      %dma_wait3A_55 = tpu.memref_squeeze %dma_wait3A_54 : memref<1x640x16xf32, #tpu.memory_space<hbm>> -> memref<640x16xf32, #tpu.memory_space<hbm>>
      %dma_wait3A_56 = arith.constant 0 : i32
      %dma_wait3A_57 = tpu.memref_slice %arg13[%mul3A_3, %dma_wait3A_56] : memref<10240x16xf32, #tpu.memory_space<vmem_shared>> -> memref<640x16xf32, #tpu.memory_space<vmem_shared>>
      tpu.wait_dma2 semaphore(%run_scoped3A : memref<!tpu.dma_semaphore, #tpu.memory_space<semaphore_mem>>) src(%dma_wait3A_57 : memref<640x16xf32, #tpu.memory_space<vmem_shared>>) dst(%dma_wait3A_55 : memref<640x16xf32, #tpu.memory_space<hbm>>)
      tpu.yield
    }) : () -> ()
    return
  }
}

module attributes {stable_mosaic.version = 14 : i64} {
  func.func @body(%arg0: memref<10000x128xf32, #tpu.memory_space<vmem>>, %arg1: memref<128x64xf32, #tpu.memory_space<vmem>>, %arg2: memref<1x64xf32, #tpu.memory_space<vmem>>, %arg3: memref<10000x64xf32, #tpu.memory_space<vmem>>) attributes {dimension_semantics = [], scalar_prefetch = 0 : i64, scratch_operands = 0 : i64, tpu.core_type = #tpu.core_type<tc>} {
    %get3A = arith.constant 0 : index
    %get3A_0 = arith.constant 0 : index
    %get3A_1 = vector.load %arg0[%get3A, %get3A_0] : memref<10000x128xf32, #tpu.memory_space<vmem>>, vector<10000x128xf32>
    %get3A_2 = arith.constant 0 : index
    %get3A_3 = arith.constant 0 : index
    %get3A_4 = vector.load %arg1[%get3A_2, %get3A_3] : memref<128x64xf32, #tpu.memory_space<vmem>>, vector<128x64xf32>
    %dot_general3A = arith.constant dense<0.000000e+00> : vector<10000x64xf32>
    %dot_general3A_5 = tpu.matmul %get3A_1, %get3A_4, %dot_general3A {dimension_numbers = #tpu.dot_dimension_numbers<[1], [0], [0], [1], [0, 0, 1, 1], [], []>, transpose_lhs_hint = false} : vector<10000x128xf32>, vector<128x64xf32>, vector<10000x64xf32> -> vector<10000x64xf32>
    %get3A_6 = arith.constant 0 : index
    %get3A_7 = arith.constant 0 : index
    %get3A_8 = vector.load %arg2[%get3A_6, %get3A_7] : memref<1x64xf32, #tpu.memory_space<vmem>>, vector<1x64xf32>
    %add3A = vector.broadcast %get3A_8 : vector<1x64xf32> to vector<10000x64xf32>
    %add3A_9 = arith.addf %dot_general3A_5, %add3A : vector<10000x64xf32>
    %swap3A = arith.constant 0 : index
    %swap3A_10 = arith.constant 0 : index
    %swap3A_11 = vector.load %arg3[%swap3A, %swap3A_10] : memref<10000x64xf32, #tpu.memory_space<vmem>>, vector<10000x64xf32>
    tpu.vector_store %arg3[%swap3A, %swap3A_10], %add3A_9 {strides = array<i32>} : memref<10000x64xf32, #tpu.memory_space<vmem>>, vector<10000x64xf32>,
    return
  }
}

module attributes {stable_mosaic.version = 14 : i64} {
  func.func @body(%arg0: memref<10000x64xf32, #tpu.memory_space<vmem>>, %arg1: memref<2x10000x64xf32, #tpu.memory_space<vmem>>, %arg2: memref<10000x1xf32, #tpu.memory_space<vmem>>, %arg3: memref<10000x1xf32, #tpu.memory_space<vmem>>, %arg4: memref<128x64xf32, #tpu.memory_space<vmem>>, %arg5: memref<1x64xf32, #tpu.memory_space<vmem>>, %arg6: memref<10000x64xf32, #tpu.memory_space<vmem>>) attributes {dimension_semantics = [], scalar_prefetch = 0 : i64, scratch_operands = 0 : i64, tpu.core_type = #tpu.core_type<tc>} {
    %get3A = arith.constant 0 : index
    %get3A_0 = arith.constant 0 : index
    %get3A_1 = vector.load %arg2[%get3A, %get3A_0] : memref<10000x1xf32, #tpu.memory_space<vmem>>, vector<10000x1xf32>
    %get3A_2 = arith.constant 0 : index
    %get3A_3 = arith.constant 0 : index
    %get3A_4 = vector.load %arg3[%get3A_2, %get3A_3] : memref<10000x1xf32, #tpu.memory_space<vmem>>, vector<10000x1xf32>
    %add3A = arith.addf %get3A_1, %get3A_4 : vector<10000x1xf32>
    %max3A = arith.constant 1.000000e+00 : f32
    %max3A_5 = vector.broadcast %max3A : f32 to vector<10000x1xf32>
    %max3A_6 = arith.maximumf %add3A, %max3A_5 : vector<10000x1xf32>
    %get3A_7 = arith.constant 0 : index
    %get3A_8 = arith.constant 0 : index
    %get3A_9 = vector.load %arg0[%get3A_7, %get3A_8] : memref<10000x64xf32, #tpu.memory_space<vmem>>, vector<10000x64xf32>
    %max3A_10 = arith.constant 0.000000e+00 : f32
    %max3A_11 = vector.broadcast %max3A_10 : f32 to vector<10000x64xf32>
    %max3A_12 = arith.maximumf %get3A_9, %max3A_11 : vector<10000x64xf32>
    %get3A_13 = arith.constant 0 : index
    %get3A_14 = arith.constant 0 : index
    %get3A_15 = arith.constant 0 : index
    %get3A_16 = vector.load %arg1[%get3A_13, %get3A_14, %get3A_15] : memref<2x10000x64xf32, #tpu.memory_space<vmem>>, vector<1x10000x64xf32>
    %get3A_17 = vector.shape_cast %get3A_16 : vector<1x10000x64xf32> to vector<10000x64xf32>
    %get3A_18 = arith.constant 1 : index
    %get3A_19 = arith.constant 0 : index
    %get3A_20 = arith.constant 0 : index
    %get3A_21 = vector.load %arg1[%get3A_18, %get3A_19, %get3A_20] : memref<2x10000x64xf32, #tpu.memory_space<vmem>>, vector<1x10000x64xf32>
    %get3A_22 = vector.shape_cast %get3A_21 : vector<1x10000x64xf32> to vector<10000x64xf32>
    %add3A_23 = arith.addf %get3A_17, %get3A_22 : vector<10000x64xf32>
    %div3A = vector.broadcast %max3A_6 : vector<10000x1xf32> to vector<10000x64xf32>
    %div3A_24 = arith.divf %add3A_23, %div3A : vector<10000x64xf32>
    %max3A_25 = arith.constant 0.000000e+00 : f32
    %max3A_26 = vector.broadcast %max3A_25 : f32 to vector<10000x64xf32>
    %max3A_27 = arith.maximumf %div3A_24, %max3A_26 : vector<10000x64xf32>
    %get3A_28 = arith.constant 0 : index
    %get3A_29 = arith.constant 0 : index
    %get3A_30 = vector.load %arg4[%get3A_28, %get3A_29] : memref<128x64xf32, #tpu.memory_space<vmem>>, vector<128x64xf32>
    %slice3A = vector.extract_strided_slice %get3A_30 {offsets = [0, 0], sizes = [64, 64], strides = [1, 1]} : vector<128x64xf32> to vector<64x64xf32>
    %dot_general3A = arith.constant dense<0.000000e+00> : vector<10000x64xf32>
    %dot_general3A_31 = tpu.matmul %max3A_12, %slice3A, %dot_general3A {dimension_numbers = #tpu.dot_dimension_numbers<[1], [0], [0], [1], [0, 0, 1, 1], [], []>, transpose_lhs_hint = false} : vector<10000x64xf32>, vector<64x64xf32>, vector<10000x64xf32> -> vector<10000x64xf32>
    %slice3A_32 = vector.extract_strided_slice %get3A_30 {offsets = [64, 0], sizes = [64, 64], strides = [1, 1]} : vector<128x64xf32> to vector<64x64xf32>
    %dot_general3A_33 = arith.constant dense<0.000000e+00> : vector<10000x64xf32>
    %dot_general3A_34 = tpu.matmul %max3A_27, %slice3A_32, %dot_general3A_33 {dimension_numbers = #tpu.dot_dimension_numbers<[1], [0], [0], [1], [0, 0, 1, 1], [], []>, transpose_lhs_hint = false} : vector<10000x64xf32>, vector<64x64xf32>, vector<10000x64xf32> -> vector<10000x64xf32>
    %add3A_35 = arith.addf %dot_general3A_31, %dot_general3A_34 : vector<10000x64xf32>
    %get3A_36 = arith.constant 0 : index
    %get3A_37 = arith.constant 0 : index
    %get3A_38 = vector.load %arg5[%get3A_36, %get3A_37] : memref<1x64xf32, #tpu.memory_space<vmem>>, vector<1x64xf32>
    %add3A_39 = vector.broadcast %get3A_38 : vector<1x64xf32> to vector<10000x64xf32>
    %add3A_40 = arith.addf %add3A_35, %add3A_39 : vector<10000x64xf32>
    %swap3A = arith.constant 0 : index
    %swap3A_41 = arith.constant 0 : index
    %swap3A_42 = vector.load %arg6[%swap3A, %swap3A_41] : memref<10000x64xf32, #tpu.memory_space<vmem>>, vector<10000x64xf32>
    tpu.vector_store %arg6[%swap3A, %swap3A_41], %add3A_40 {strides = array<i32>} : memref<10000x64xf32, #tpu.memory_space<vmem>>, vector<10000x64xf32>,
    return
  }
}

module attributes {stable_mosaic.version = 14 : i64} {
  func.func @body(%arg0: memref<1250x8x64xf32, #tpu.memory_space<vmem>>, %arg1: memref<2x1250x8x64xf32, #tpu.memory_space<vmem>>, %arg2: memref<1250x8x2xf32, #tpu.memory_space<vmem>>, %arg3: memref<8x128x256xf32, #tpu.memory_space<vmem>>, %arg4: memref<1x256xf32, #tpu.memory_space<vmem>>, %arg5: memref<256x256xf32, #tpu.memory_space<vmem>>, %arg6: memref<1x256xf32, #tpu.memory_space<vmem>>, %arg7: memref<256x8xf32, #tpu.memory_space<vmem>>, %arg8: memref<1x8xf32, #tpu.memory_space<vmem>>, %arg9: memref<1250x8xf32, #tpu.memory_space<vmem>>, %arg10: memref<1x8xf32, #tpu.memory_space<vmem>>, %arg11: memref<1250x8xf32, #tpu.memory_space<vmem>>, %arg12: memref<1250x1xf32, #tpu.memory_space<vmem>>) attributes {dimension_semantics = [], scalar_prefetch = 0 : i64, scratch_operands = 0 : i64, tpu.core_type = #tpu.core_type<tc>} {
    %broadcast_in_dim3A = arith.constant 0.000000e+00 : f32
    %broadcast_in_dim3A_0 = vector.broadcast %broadcast_in_dim3A : f32 to vector<1250x256xf32>
    %get3A = arith.constant 0 : index
    %get3A_1 = arith.constant 0 : index
    %get3A_2 = arith.constant 0 : index
    %get3A_3 = vector.load %arg2[%get3A, %get3A_1, %get3A_2] : memref<1250x8x2xf32, #tpu.memory_space<vmem>>, vector<1250x1x1xf32>
    %get3A_4 = vector.shape_cast %get3A_3 : vector<1250x1x1xf32> to vector<1250x1xf32>
    %get3A_5 = arith.constant 0 : index
    %get3A_6 = arith.constant 0 : index
    %get3A_7 = arith.constant 1 : index
    %get3A_8 = vector.load %arg2[%get3A_5, %get3A_6, %get3A_7] : memref<1250x8x2xf32, #tpu.memory_space<vmem>>, vector<1250x1x1xf32>
    %get3A_9 = vector.shape_cast %get3A_8 : vector<1250x1x1xf32> to vector<1250x1xf32>
    %add3A = arith.addf %get3A_4, %get3A_9 : vector<1250x1xf32>
    %max3A = arith.constant 1.000000e+00 : f32
    %max3A_10 = vector.broadcast %max3A : f32 to vector<1250x1xf32>
    %max3A_11 = arith.maximumf %add3A, %max3A_10 : vector<1250x1xf32>
    %get3A_12 = arith.constant 0 : index
    %get3A_13 = arith.constant 0 : index
    %get3A_14 = arith.constant 0 : index
    %get3A_15 = vector.load %arg0[%get3A_12, %get3A_13, %get3A_14] : memref<1250x8x64xf32, #tpu.memory_space<vmem>>, vector<1250x1x64xf32>
    %get3A_16 = vector.shape_cast %get3A_15 : vector<1250x1x64xf32> to vector<1250x64xf32>
    %max3A_17 = arith.constant 0.000000e+00 : f32
    %max3A_18 = vector.broadcast %max3A_17 : f32 to vector<1250x64xf32>
    %max3A_19 = arith.maximumf %get3A_16, %max3A_18 : vector<1250x64xf32>
    %get3A_20 = arith.constant 0 : index
    %get3A_21 = arith.constant 0 : index
    %get3A_22 = arith.constant 0 : index
    %get3A_23 = arith.constant 0 : index
    %get3A_24 = vector.load %arg1[%get3A_20, %get3A_21, %get3A_22, %get3A_23] : memref<2x1250x8x64xf32, #tpu.memory_space<vmem>>, vector<1x1250x1x64xf32>
    %get3A_25 = vector.shape_cast %get3A_24 : vector<1x1250x1x64xf32> to vector<1250x64xf32>
    %get3A_26 = arith.constant 1 : index
    %get3A_27 = arith.constant 0 : index
    %get3A_28 = arith.constant 0 : index
    %get3A_29 = arith.constant 0 : index
    %get3A_30 = vector.load %arg1[%get3A_26, %get3A_27, %get3A_28, %get3A_29] : memref<2x1250x8x64xf32, #tpu.memory_space<vmem>>, vector<1x1250x1x64xf32>
    %get3A_31 = vector.shape_cast %get3A_30 : vector<1x1250x1x64xf32> to vector<1250x64xf32>
    %add3A_32 = arith.addf %get3A_25, %get3A_31 : vector<1250x64xf32>
    %div3A = vector.broadcast %max3A_11 : vector<1250x1xf32> to vector<1250x64xf32>
    %div3A_33 = arith.divf %add3A_32, %div3A : vector<1250x64xf32>
    %max3A_34 = arith.constant 0.000000e+00 : f32
    %max3A_35 = vector.broadcast %max3A_34 : f32 to vector<1250x64xf32>
    %max3A_36 = arith.maximumf %div3A_33, %max3A_35 : vector<1250x64xf32>
    %get3A_37 = arith.constant 0 : index
    %get3A_38 = arith.constant 0 : index
    %get3A_39 = arith.constant 0 : index
    %get3A_40 = vector.load %arg3[%get3A_37, %get3A_38, %get3A_39] : memref<8x128x256xf32, #tpu.memory_space<vmem>>, vector<1x64x256xf32>
    %get3A_41 = vector.shape_cast %get3A_40 : vector<1x64x256xf32> to vector<64x256xf32>
    %dot_general3A = arith.constant dense<0.000000e+00> : vector<1250x256xf32>
    %dot_general3A_42 = tpu.matmul %max3A_19, %get3A_41, %dot_general3A {dimension_numbers = #tpu.dot_dimension_numbers<[1], [0], [0], [1], [0, 0, 1, 1], [], []>, transpose_lhs_hint = false} : vector<1250x64xf32>, vector<64x256xf32>, vector<1250x256xf32> -> vector<1250x256xf32>
    %add3A_43 = arith.addf %broadcast_in_dim3A_0, %dot_general3A_42 : vector<1250x256xf32>
    %get3A_44 = arith.constant 0 : index
    %get3A_45 = arith.constant 64 : index
    %get3A_46 = arith.constant 0 : index
    %get3A_47 = vector.load %arg3[%get3A_44, %get3A_45, %get3A_46] : memref<8x128x256xf32, #tpu.memory_space<vmem>>, vector<1x64x256xf32>
    %get3A_48 = vector.shape_cast %get3A_47 : vector<1x64x256xf32> to vector<64x256xf32>
    %dot_general3A_49 = arith.constant dense<0.000000e+00> : vector<1250x256xf32>
    %dot_general3A_50 = tpu.matmul %max3A_36, %get3A_48, %dot_general3A_49 {dimension_numbers = #tpu.dot_dimension_numbers<[1], [0], [0], [1], [0, 0, 1, 1], [], []>, transpose_lhs_hint = false} : vector<1250x64xf32>, vector<64x256xf32>, vector<1250x256xf32> -> vector<1250x256xf32>
    %add3A_51 = arith.addf %add3A_43, %dot_general3A_50 : vector<1250x256xf32>
    %get3A_52 = arith.constant 0 : index
    %get3A_53 = arith.constant 1 : index
    %get3A_54 = arith.constant 0 : index
    %get3A_55 = vector.load %arg2[%get3A_52, %get3A_53, %get3A_54] : memref<1250x8x2xf32, #tpu.memory_space<vmem>>, vector<1250x1x1xf32>
    %get3A_56 = vector.shape_cast %get3A_55 : vector<1250x1x1xf32> to vector<1250x1xf32>
    %get3A_57 = arith.constant 0 : index
    %get3A_58 = arith.constant 1 : index
    %get3A_59 = arith.constant 1 : index
    %get3A_60 = vector.load %arg2[%get3A_57, %get3A_58, %get3A_59] : memref<1250x8x2xf32, #tpu.memory_space<vmem>>, vector<1250x1x1xf32>
    %get3A_61 = vector.shape_cast %get3A_60 : vector<1250x1x1xf32> to vector<1250x1xf32>
    %add3A_62 = arith.addf %get3A_56, %get3A_61 : vector<1250x1xf32>
    %max3A_63 = arith.constant 1.000000e+00 : f32
    %max3A_64 = vector.broadcast %max3A_63 : f32 to vector<1250x1xf32>
    %max3A_65 = arith.maximumf %add3A_62, %max3A_64 : vector<1250x1xf32>
    %get3A_66 = arith.constant 0 : index
    %get3A_67 = arith.constant 1 : index
    %get3A_68 = arith.constant 0 : index
    %get3A_69 = vector.load %arg0[%get3A_66, %get3A_67, %get3A_68] : memref<1250x8x64xf32, #tpu.memory_space<vmem>>, vector<1250x1x64xf32>
    %get3A_70 = vector.shape_cast %get3A_69 : vector<1250x1x64xf32> to vector<1250x64xf32>
    %max3A_71 = arith.constant 0.000000e+00 : f32
    %max3A_72 = vector.broadcast %max3A_71 : f32 to vector<1250x64xf32>
    %max3A_73 = arith.maximumf %get3A_70, %max3A_72 : vector<1250x64xf32>
    %get3A_74 = arith.constant 0 : index
    %get3A_75 = arith.constant 0 : index
    %get3A_76 = arith.constant 1 : index
    %get3A_77 = arith.constant 0 : index
    %get3A_78 = vector.load %arg1[%get3A_74, %get3A_75, %get3A_76, %get3A_77] : memref<2x1250x8x64xf32, #tpu.memory_space<vmem>>, vector<1x1250x1x64xf32>
    %get3A_79 = vector.shape_cast %get3A_78 : vector<1x1250x1x64xf32> to vector<1250x64xf32>
    %get3A_80 = arith.constant 1 : index
    %get3A_81 = arith.constant 0 : index
    %get3A_82 = arith.constant 1 : index
    %get3A_83 = arith.constant 0 : index
    %get3A_84 = vector.load %arg1[%get3A_80, %get3A_81, %get3A_82, %get3A_83] : memref<2x1250x8x64xf32, #tpu.memory_space<vmem>>, vector<1x1250x1x64xf32>
    %get3A_85 = vector.shape_cast %get3A_84 : vector<1x1250x1x64xf32> to vector<1250x64xf32>
    %add3A_86 = arith.addf %get3A_79, %get3A_85 : vector<1250x64xf32>
    %div3A_87 = vector.broadcast %max3A_65 : vector<1250x1xf32> to vector<1250x64xf32>
    %div3A_88 = arith.divf %add3A_86, %div3A_87 : vector<1250x64xf32>
    %max3A_89 = arith.constant 0.000000e+00 : f32
    %max3A_90 = vector.broadcast %max3A_89 : f32 to vector<1250x64xf32>
    %max3A_91 = arith.maximumf %div3A_88, %max3A_90 : vector<1250x64xf32>
    %get3A_92 = arith.constant 1 : index
    %get3A_93 = arith.constant 0 : index
    %get3A_94 = arith.constant 0 : index
    %get3A_95 = vector.load %arg3[%get3A_92, %get3A_93, %get3A_94] : memref<8x128x256xf32, #tpu.memory_space<vmem>>, vector<1x64x256xf32>
    %get3A_96 = vector.shape_cast %get3A_95 : vector<1x64x256xf32> to vector<64x256xf32>
    %dot_general3A_97 = arith.constant dense<0.000000e+00> : vector<1250x256xf32>
    %dot_general3A_98 = tpu.matmul %max3A_73, %get3A_96, %dot_general3A_97 {dimension_numbers = #tpu.dot_dimension_numbers<[1], [0], [0], [1], [0, 0, 1, 1], [], []>, transpose_lhs_hint = false} : vector<1250x64xf32>, vector<64x256xf32>, vector<1250x256xf32> -> vector<1250x256xf32>
    %add3A_99 = arith.addf %add3A_51, %dot_general3A_98 : vector<1250x256xf32>
    %get3A_100 = arith.constant 1 : index
    %get3A_101 = arith.constant 64 : index
    %get3A_102 = arith.constant 0 : index
    %get3A_103 = vector.load %arg3[%get3A_100, %get3A_101, %get3A_102] : memref<8x128x256xf32, #tpu.memory_space<vmem>>, vector<1x64x256xf32>
    %get3A_104 = vector.shape_cast %get3A_103 : vector<1x64x256xf32> to vector<64x256xf32>
    %dot_general3A_105 = arith.constant dense<0.000000e+00> : vector<1250x256xf32>
    %dot_general3A_106 = tpu.matmul %max3A_91, %get3A_104, %dot_general3A_105 {dimension_numbers = #tpu.dot_dimension_numbers<[1], [0], [0], [1], [0, 0, 1, 1], [], []>, transpose_lhs_hint = false} : vector<1250x64xf32>, vector<64x256xf32>, vector<1250x256xf32> -> vector<1250x256xf32>
    %add3A_107 = arith.addf %add3A_99, %dot_general3A_106 : vector<1250x256xf32>
    %get3A_108 = arith.constant 0 : index
    %get3A_109 = arith.constant 2 : index
    %get3A_110 = arith.constant 0 : index
    %get3A_111 = vector.load %arg2[%get3A_108, %get3A_109, %get3A_110] : memref<1250x8x2xf32, #tpu.memory_space<vmem>>, vector<1250x1x1xf32>
    %get3A_112 = vector.shape_cast %get3A_111 : vector<1250x1x1xf32> to vector<1250x1xf32>
    %get3A_113 = arith.constant 0 : index
    %get3A_114 = arith.constant 2 : index
    %get3A_115 = arith.constant 1 : index
    %get3A_116 = vector.load %arg2[%get3A_113, %get3A_114, %get3A_115] : memref<1250x8x2xf32, #tpu.memory_space<vmem>>, vector<1250x1x1xf32>
    %get3A_117 = vector.shape_cast %get3A_116 : vector<1250x1x1xf32> to vector<1250x1xf32>
    %add3A_118 = arith.addf %get3A_112, %get3A_117 : vector<1250x1xf32>
    %max3A_119 = arith.constant 1.000000e+00 : f32
    %max3A_120 = vector.broadcast %max3A_119 : f32 to vector<1250x1xf32>
    %max3A_121 = arith.maximumf %add3A_118, %max3A_120 : vector<1250x1xf32>
    %get3A_122 = arith.constant 0 : index
    %get3A_123 = arith.constant 2 : index
    %get3A_124 = arith.constant 0 : index
    %get3A_125 = vector.load %arg0[%get3A_122, %get3A_123, %get3A_124] : memref<1250x8x64xf32, #tpu.memory_space<vmem>>, vector<1250x1x64xf32>
    %get3A_126 = vector.shape_cast %get3A_125 : vector<1250x1x64xf32> to vector<1250x64xf32>
    %max3A_127 = arith.constant 0.000000e+00 : f32
    %max3A_128 = vector.broadcast %max3A_127 : f32 to vector<1250x64xf32>
    %max3A_129 = arith.maximumf %get3A_126, %max3A_128 : vector<1250x64xf32>
    %get3A_130 = arith.constant 0 : index
    %get3A_131 = arith.constant 0 : index
    %get3A_132 = arith.constant 2 : index
    %get3A_133 = arith.constant 0 : index
    %get3A_134 = vector.load %arg1[%get3A_130, %get3A_131, %get3A_132, %get3A_133] : memref<2x1250x8x64xf32, #tpu.memory_space<vmem>>, vector<1x1250x1x64xf32>
    %get3A_135 = vector.shape_cast %get3A_134 : vector<1x1250x1x64xf32> to vector<1250x64xf32>
    %get3A_136 = arith.constant 1 : index
    %get3A_137 = arith.constant 0 : index
    %get3A_138 = arith.constant 2 : index
    %get3A_139 = arith.constant 0 : index
    %get3A_140 = vector.load %arg1[%get3A_136, %get3A_137, %get3A_138, %get3A_139] : memref<2x1250x8x64xf32, #tpu.memory_space<vmem>>, vector<1x1250x1x64xf32>
    %get3A_141 = vector.shape_cast %get3A_140 : vector<1x1250x1x64xf32> to vector<1250x64xf32>
    %add3A_142 = arith.addf %get3A_135, %get3A_141 : vector<1250x64xf32>
    %div3A_143 = vector.broadcast %max3A_121 : vector<1250x1xf32> to vector<1250x64xf32>
    %div3A_144 = arith.divf %add3A_142, %div3A_143 : vector<1250x64xf32>
    %max3A_145 = arith.constant 0.000000e+00 : f32
    %max3A_146 = vector.broadcast %max3A_145 : f32 to vector<1250x64xf32>
    %max3A_147 = arith.maximumf %div3A_144, %max3A_146 : vector<1250x64xf32>
    %get3A_148 = arith.constant 2 : index
    %get3A_149 = arith.constant 0 : index
    %get3A_150 = arith.constant 0 : index
    %get3A_151 = vector.load %arg3[%get3A_148, %get3A_149, %get3A_150] : memref<8x128x256xf32, #tpu.memory_space<vmem>>, vector<1x64x256xf32>
    %get3A_152 = vector.shape_cast %get3A_151 : vector<1x64x256xf32> to vector<64x256xf32>
    %dot_general3A_153 = arith.constant dense<0.000000e+00> : vector<1250x256xf32>
    %dot_general3A_154 = tpu.matmul %max3A_129, %get3A_152, %dot_general3A_153 {dimension_numbers = #tpu.dot_dimension_numbers<[1], [0], [0], [1], [0, 0, 1, 1], [], []>, transpose_lhs_hint = false} : vector<1250x64xf32>, vector<64x256xf32>, vector<1250x256xf32> -> vector<1250x256xf32>
    %add3A_155 = arith.addf %add3A_107, %dot_general3A_154 : vector<1250x256xf32>
    %get3A_156 = arith.constant 2 : index
    %get3A_157 = arith.constant 64 : index
    %get3A_158 = arith.constant 0 : index
    %get3A_159 = vector.load %arg3[%get3A_156, %get3A_157, %get3A_158] : memref<8x128x256xf32, #tpu.memory_space<vmem>>, vector<1x64x256xf32>
    %get3A_160 = vector.shape_cast %get3A_159 : vector<1x64x256xf32> to vector<64x256xf32>
    %dot_general3A_161 = arith.constant dense<0.000000e+00> : vector<1250x256xf32>
    %dot_general3A_162 = tpu.matmul %max3A_147, %get3A_160, %dot_general3A_161 {dimension_numbers = #tpu.dot_dimension_numbers<[1], [0], [0], [1], [0, 0, 1, 1], [], []>, transpose_lhs_hint = false} : vector<1250x64xf32>, vector<64x256xf32>, vector<1250x256xf32> -> vector<1250x256xf32>
    %add3A_163 = arith.addf %add3A_155, %dot_general3A_162 : vector<1250x256xf32>
    %get3A_164 = arith.constant 0 : index
    %get3A_165 = arith.constant 3 : index
    %get3A_166 = arith.constant 0 : index
    %get3A_167 = vector.load %arg2[%get3A_164, %get3A_165, %get3A_166] : memref<1250x8x2xf32, #tpu.memory_space<vmem>>, vector<1250x1x1xf32>
    %get3A_168 = vector.shape_cast %get3A_167 : vector<1250x1x1xf32> to vector<1250x1xf32>
    %get3A_169 = arith.constant 0 : index
    %get3A_170 = arith.constant 3 : index
    %get3A_171 = arith.constant 1 : index
    %get3A_172 = vector.load %arg2[%get3A_169, %get3A_170, %get3A_171] : memref<1250x8x2xf32, #tpu.memory_space<vmem>>, vector<1250x1x1xf32>
    %get3A_173 = vector.shape_cast %get3A_172 : vector<1250x1x1xf32> to vector<1250x1xf32>
    %add3A_174 = arith.addf %get3A_168, %get3A_173 : vector<1250x1xf32>
    %max3A_175 = arith.constant 1.000000e+00 : f32
    %max3A_176 = vector.broadcast %max3A_175 : f32 to vector<1250x1xf32>
    %max3A_177 = arith.maximumf %add3A_174, %max3A_176 : vector<1250x1xf32>
    %get3A_178 = arith.constant 0 : index
    %get3A_179 = arith.constant 3 : index
    %get3A_180 = arith.constant 0 : index
    %get3A_181 = vector.load %arg0[%get3A_178, %get3A_179, %get3A_180] : memref<1250x8x64xf32, #tpu.memory_space<vmem>>, vector<1250x1x64xf32>
    %get3A_182 = vector.shape_cast %get3A_181 : vector<1250x1x64xf32> to vector<1250x64xf32>
    %max3A_183 = arith.constant 0.000000e+00 : f32
    %max3A_184 = vector.broadcast %max3A_183 : f32 to vector<1250x64xf32>
    %max3A_185 = arith.maximumf %get3A_182, %max3A_184 : vector<1250x64xf32>
    %get3A_186 = arith.constant 0 : index
    %get3A_187 = arith.constant 0 : index
    %get3A_188 = arith.constant 3 : index
    %get3A_189 = arith.constant 0 : index
    %get3A_190 = vector.load %arg1[%get3A_186, %get3A_187, %get3A_188, %get3A_189] : memref<2x1250x8x64xf32, #tpu.memory_space<vmem>>, vector<1x1250x1x64xf32>
    %get3A_191 = vector.shape_cast %get3A_190 : vector<1x1250x1x64xf32> to vector<1250x64xf32>
    %get3A_192 = arith.constant 1 : index
    %get3A_193 = arith.constant 0 : index
    %get3A_194 = arith.constant 3 : index
    %get3A_195 = arith.constant 0 : index
    %get3A_196 = vector.load %arg1[%get3A_192, %get3A_193, %get3A_194, %get3A_195] : memref<2x1250x8x64xf32, #tpu.memory_space<vmem>>, vector<1x1250x1x64xf32>
    %get3A_197 = vector.shape_cast %get3A_196 : vector<1x1250x1x64xf32> to vector<1250x64xf32>
    %add3A_198 = arith.addf %get3A_191, %get3A_197 : vector<1250x64xf32>
    %div3A_199 = vector.broadcast %max3A_177 : vector<1250x1xf32> to vector<1250x64xf32>
    %div3A_200 = arith.divf %add3A_198, %div3A_199 : vector<1250x64xf32>
    %max3A_201 = arith.constant 0.000000e+00 : f32
    %max3A_202 = vector.broadcast %max3A_201 : f32 to vector<1250x64xf32>
    %max3A_203 = arith.maximumf %div3A_200, %max3A_202 : vector<1250x64xf32>
    %get3A_204 = arith.constant 3 : index
    %get3A_205 = arith.constant 0 : index
    %get3A_206 = arith.constant 0 : index
    %get3A_207 = vector.load %arg3[%get3A_204, %get3A_205, %get3A_206] : memref<8x128x256xf32, #tpu.memory_space<vmem>>, vector<1x64x256xf32>
    %get3A_208 = vector.shape_cast %get3A_207 : vector<1x64x256xf32> to vector<64x256xf32>
    %dot_general3A_209 = arith.constant dense<0.000000e+00> : vector<1250x256xf32>
    %dot_general3A_210 = tpu.matmul %max3A_185, %get3A_208, %dot_general3A_209 {dimension_numbers = #tpu.dot_dimension_numbers<[1], [0], [0], [1], [0, 0, 1, 1], [], []>, transpose_lhs_hint = false} : vector<1250x64xf32>, vector<64x256xf32>, vector<1250x256xf32> -> vector<1250x256xf32>
    %add3A_211 = arith.addf %add3A_163, %dot_general3A_210 : vector<1250x256xf32>
    %get3A_212 = arith.constant 3 : index
    %get3A_213 = arith.constant 64 : index
    %get3A_214 = arith.constant 0 : index
    %get3A_215 = vector.load %arg3[%get3A_212, %get3A_213, %get3A_214] : memref<8x128x256xf32, #tpu.memory_space<vmem>>, vector<1x64x256xf32>
    %get3A_216 = vector.shape_cast %get3A_215 : vector<1x64x256xf32> to vector<64x256xf32>
    %dot_general3A_217 = arith.constant dense<0.000000e+00> : vector<1250x256xf32>
    %dot_general3A_218 = tpu.matmul %max3A_203, %get3A_216, %dot_general3A_217 {dimension_numbers = #tpu.dot_dimension_numbers<[1], [0], [0], [1], [0, 0, 1, 1], [], []>, transpose_lhs_hint = false} : vector<1250x64xf32>, vector<64x256xf32>, vector<1250x256xf32> -> vector<1250x256xf32>
    %add3A_219 = arith.addf %add3A_211, %dot_general3A_218 : vector<1250x256xf32>
    %get3A_220 = arith.constant 0 : index
    %get3A_221 = arith.constant 4 : index
    %get3A_222 = arith.constant 0 : index
    %get3A_223 = vector.load %arg2[%get3A_220, %get3A_221, %get3A_222] : memref<1250x8x2xf32, #tpu.memory_space<vmem>>, vector<1250x1x1xf32>
    %get3A_224 = vector.shape_cast %get3A_223 : vector<1250x1x1xf32> to vector<1250x1xf32>
    %get3A_225 = arith.constant 0 : index
    %get3A_226 = arith.constant 4 : index
    %get3A_227 = arith.constant 1 : index
    %get3A_228 = vector.load %arg2[%get3A_225, %get3A_226, %get3A_227] : memref<1250x8x2xf32, #tpu.memory_space<vmem>>, vector<1250x1x1xf32>
    %get3A_229 = vector.shape_cast %get3A_228 : vector<1250x1x1xf32> to vector<1250x1xf32>
    %add3A_230 = arith.addf %get3A_224, %get3A_229 : vector<1250x1xf32>
    %max3A_231 = arith.constant 1.000000e+00 : f32
    %max3A_232 = vector.broadcast %max3A_231 : f32 to vector<1250x1xf32>
    %max3A_233 = arith.maximumf %add3A_230, %max3A_232 : vector<1250x1xf32>
    %get3A_234 = arith.constant 0 : index
    %get3A_235 = arith.constant 4 : index
    %get3A_236 = arith.constant 0 : index
    %get3A_237 = vector.load %arg0[%get3A_234, %get3A_235, %get3A_236] : memref<1250x8x64xf32, #tpu.memory_space<vmem>>, vector<1250x1x64xf32>
    %get3A_238 = vector.shape_cast %get3A_237 : vector<1250x1x64xf32> to vector<1250x64xf32>
    %max3A_239 = arith.constant 0.000000e+00 : f32
    %max3A_240 = vector.broadcast %max3A_239 : f32 to vector<1250x64xf32>
    %max3A_241 = arith.maximumf %get3A_238, %max3A_240 : vector<1250x64xf32>
    %get3A_242 = arith.constant 0 : index
    %get3A_243 = arith.constant 0 : index
    %get3A_244 = arith.constant 4 : index
    %get3A_245 = arith.constant 0 : index
    %get3A_246 = vector.load %arg1[%get3A_242, %get3A_243, %get3A_244, %get3A_245] : memref<2x1250x8x64xf32, #tpu.memory_space<vmem>>, vector<1x1250x1x64xf32>
    %get3A_247 = vector.shape_cast %get3A_246 : vector<1x1250x1x64xf32> to vector<1250x64xf32>
    %get3A_248 = arith.constant 1 : index
    %get3A_249 = arith.constant 0 : index
    %get3A_250 = arith.constant 4 : index
    %get3A_251 = arith.constant 0 : index
    %get3A_252 = vector.load %arg1[%get3A_248, %get3A_249, %get3A_250, %get3A_251] : memref<2x1250x8x64xf32, #tpu.memory_space<vmem>>, vector<1x1250x1x64xf32>
    %get3A_253 = vector.shape_cast %get3A_252 : vector<1x1250x1x64xf32> to vector<1250x64xf32>
    %add3A_254 = arith.addf %get3A_247, %get3A_253 : vector<1250x64xf32>
    %div3A_255 = vector.broadcast %max3A_233 : vector<1250x1xf32> to vector<1250x64xf32>
    %div3A_256 = arith.divf %add3A_254, %div3A_255 : vector<1250x64xf32>
    %max3A_257 = arith.constant 0.000000e+00 : f32
    %max3A_258 = vector.broadcast %max3A_257 : f32 to vector<1250x64xf32>
    %max3A_259 = arith.maximumf %div3A_256, %max3A_258 : vector<1250x64xf32>
    %get3A_260 = arith.constant 4 : index
    %get3A_261 = arith.constant 0 : index
    %get3A_262 = arith.constant 0 : index
    %get3A_263 = vector.load %arg3[%get3A_260, %get3A_261, %get3A_262] : memref<8x128x256xf32, #tpu.memory_space<vmem>>, vector<1x64x256xf32>
    %get3A_264 = vector.shape_cast %get3A_263 : vector<1x64x256xf32> to vector<64x256xf32>
    %dot_general3A_265 = arith.constant dense<0.000000e+00> : vector<1250x256xf32>
    %dot_general3A_266 = tpu.matmul %max3A_241, %get3A_264, %dot_general3A_265 {dimension_numbers = #tpu.dot_dimension_numbers<[1], [0], [0], [1], [0, 0, 1, 1], [], []>, transpose_lhs_hint = false} : vector<1250x64xf32>, vector<64x256xf32>, vector<1250x256xf32> -> vector<1250x256xf32>
    %add3A_267 = arith.addf %add3A_219, %dot_general3A_266 : vector<1250x256xf32>
    %get3A_268 = arith.constant 4 : index
    %get3A_269 = arith.constant 64 : index
    %get3A_270 = arith.constant 0 : index
    %get3A_271 = vector.load %arg3[%get3A_268, %get3A_269, %get3A_270] : memref<8x128x256xf32, #tpu.memory_space<vmem>>, vector<1x64x256xf32>
    %get3A_272 = vector.shape_cast %get3A_271 : vector<1x64x256xf32> to vector<64x256xf32>
    %dot_general3A_273 = arith.constant dense<0.000000e+00> : vector<1250x256xf32>
    %dot_general3A_274 = tpu.matmul %max3A_259, %get3A_272, %dot_general3A_273 {dimension_numbers = #tpu.dot_dimension_numbers<[1], [0], [0], [1], [0, 0, 1, 1], [], []>, transpose_lhs_hint = false} : vector<1250x64xf32>, vector<64x256xf32>, vector<1250x256xf32> -> vector<1250x256xf32>
    %add3A_275 = arith.addf %add3A_267, %dot_general3A_274 : vector<1250x256xf32>
    %get3A_276 = arith.constant 0 : index
    %get3A_277 = arith.constant 5 : index
    %get3A_278 = arith.constant 0 : index
    %get3A_279 = vector.load %arg2[%get3A_276, %get3A_277, %get3A_278] : memref<1250x8x2xf32, #tpu.memory_space<vmem>>, vector<1250x1x1xf32>
    %get3A_280 = vector.shape_cast %get3A_279 : vector<1250x1x1xf32> to vector<1250x1xf32>
    %get3A_281 = arith.constant 0 : index
    %get3A_282 = arith.constant 5 : index
    %get3A_283 = arith.constant 1 : index
    %get3A_284 = vector.load %arg2[%get3A_281, %get3A_282, %get3A_283] : memref<1250x8x2xf32, #tpu.memory_space<vmem>>, vector<1250x1x1xf32>
    %get3A_285 = vector.shape_cast %get3A_284 : vector<1250x1x1xf32> to vector<1250x1xf32>
    %add3A_286 = arith.addf %get3A_280, %get3A_285 : vector<1250x1xf32>
    %max3A_287 = arith.constant 1.000000e+00 : f32
    %max3A_288 = vector.broadcast %max3A_287 : f32 to vector<1250x1xf32>
    %max3A_289 = arith.maximumf %add3A_286, %max3A_288 : vector<1250x1xf32>
    %get3A_290 = arith.constant 0 : index
    %get3A_291 = arith.constant 5 : index
    %get3A_292 = arith.constant 0 : index
    %get3A_293 = vector.load %arg0[%get3A_290, %get3A_291, %get3A_292] : memref<1250x8x64xf32, #tpu.memory_space<vmem>>, vector<1250x1x64xf32>
    %get3A_294 = vector.shape_cast %get3A_293 : vector<1250x1x64xf32> to vector<1250x64xf32>
    %max3A_295 = arith.constant 0.000000e+00 : f32
    %max3A_296 = vector.broadcast %max3A_295 : f32 to vector<1250x64xf32>
    %max3A_297 = arith.maximumf %get3A_294, %max3A_296 : vector<1250x64xf32>
    %get3A_298 = arith.constant 0 : index
    %get3A_299 = arith.constant 0 : index
    %get3A_300 = arith.constant 5 : index
    %get3A_301 = arith.constant 0 : index
    %get3A_302 = vector.load %arg1[%get3A_298, %get3A_299, %get3A_300, %get3A_301] : memref<2x1250x8x64xf32, #tpu.memory_space<vmem>>, vector<1x1250x1x64xf32>
    %get3A_303 = vector.shape_cast %get3A_302 : vector<1x1250x1x64xf32> to vector<1250x64xf32>
    %get3A_304 = arith.constant 1 : index
    %get3A_305 = arith.constant 0 : index
    %get3A_306 = arith.constant 5 : index
    %get3A_307 = arith.constant 0 : index
    %get3A_308 = vector.load %arg1[%get3A_304, %get3A_305, %get3A_306, %get3A_307] : memref<2x1250x8x64xf32, #tpu.memory_space<vmem>>, vector<1x1250x1x64xf32>
    %get3A_309 = vector.shape_cast %get3A_308 : vector<1x1250x1x64xf32> to vector<1250x64xf32>
    %add3A_310 = arith.addf %get3A_303, %get3A_309 : vector<1250x64xf32>
    %div3A_311 = vector.broadcast %max3A_289 : vector<1250x1xf32> to vector<1250x64xf32>
    %div3A_312 = arith.divf %add3A_310, %div3A_311 : vector<1250x64xf32>
    %max3A_313 = arith.constant 0.000000e+00 : f32
    %max3A_314 = vector.broadcast %max3A_313 : f32 to vector<1250x64xf32>
    %max3A_315 = arith.maximumf %div3A_312, %max3A_314 : vector<1250x64xf32>
    %get3A_316 = arith.constant 5 : index
    %get3A_317 = arith.constant 0 : index
    %get3A_318 = arith.constant 0 : index
    %get3A_319 = vector.load %arg3[%get3A_316, %get3A_317, %get3A_318] : memref<8x128x256xf32, #tpu.memory_space<vmem>>, vector<1x64x256xf32>
    %get3A_320 = vector.shape_cast %get3A_319 : vector<1x64x256xf32> to vector<64x256xf32>
    %dot_general3A_321 = arith.constant dense<0.000000e+00> : vector<1250x256xf32>
    %dot_general3A_322 = tpu.matmul %max3A_297, %get3A_320, %dot_general3A_321 {dimension_numbers = #tpu.dot_dimension_numbers<[1], [0], [0], [1], [0, 0, 1, 1], [], []>, transpose_lhs_hint = false} : vector<1250x64xf32>, vector<64x256xf32>, vector<1250x256xf32> -> vector<1250x256xf32>
    %add3A_323 = arith.addf %add3A_275, %dot_general3A_322 : vector<1250x256xf32>
    %get3A_324 = arith.constant 5 : index
    %get3A_325 = arith.constant 64 : index
    %get3A_326 = arith.constant 0 : index
    %get3A_327 = vector.load %arg3[%get3A_324, %get3A_325, %get3A_326] : memref<8x128x256xf32, #tpu.memory_space<vmem>>, vector<1x64x256xf32>
    %get3A_328 = vector.shape_cast %get3A_327 : vector<1x64x256xf32> to vector<64x256xf32>
    %dot_general3A_329 = arith.constant dense<0.000000e+00> : vector<1250x256xf32>
    %dot_general3A_330 = tpu.matmul %max3A_315, %get3A_328, %dot_general3A_329 {dimension_numbers = #tpu.dot_dimension_numbers<[1], [0], [0], [1], [0, 0, 1, 1], [], []>, transpose_lhs_hint = false} : vector<1250x64xf32>, vector<64x256xf32>, vector<1250x256xf32> -> vector<1250x256xf32>
    %add3A_331 = arith.addf %add3A_323, %dot_general3A_330 : vector<1250x256xf32>
    %get3A_332 = arith.constant 0 : index
    %get3A_333 = arith.constant 6 : index
    %get3A_334 = arith.constant 0 : index
    %get3A_335 = vector.load %arg2[%get3A_332, %get3A_333, %get3A_334] : memref<1250x8x2xf32, #tpu.memory_space<vmem>>, vector<1250x1x1xf32>
    %get3A_336 = vector.shape_cast %get3A_335 : vector<1250x1x1xf32> to vector<1250x1xf32>
    %get3A_337 = arith.constant 0 : index
    %get3A_338 = arith.constant 6 : index
    %get3A_339 = arith.constant 1 : index
    %get3A_340 = vector.load %arg2[%get3A_337, %get3A_338, %get3A_339] : memref<1250x8x2xf32, #tpu.memory_space<vmem>>, vector<1250x1x1xf32>
    %get3A_341 = vector.shape_cast %get3A_340 : vector<1250x1x1xf32> to vector<1250x1xf32>
    %add3A_342 = arith.addf %get3A_336, %get3A_341 : vector<1250x1xf32>
    %max3A_343 = arith.constant 1.000000e+00 : f32
    %max3A_344 = vector.broadcast %max3A_343 : f32 to vector<1250x1xf32>
    %max3A_345 = arith.maximumf %add3A_342, %max3A_344 : vector<1250x1xf32>
    %get3A_346 = arith.constant 0 : index
    %get3A_347 = arith.constant 6 : index
    %get3A_348 = arith.constant 0 : index
    %get3A_349 = vector.load %arg0[%get3A_346, %get3A_347, %get3A_348] : memref<1250x8x64xf32, #tpu.memory_space<vmem>>, vector<1250x1x64xf32>
    %get3A_350 = vector.shape_cast %get3A_349 : vector<1250x1x64xf32> to vector<1250x64xf32>
    %max3A_351 = arith.constant 0.000000e+00 : f32
    %max3A_352 = vector.broadcast %max3A_351 : f32 to vector<1250x64xf32>
    %max3A_353 = arith.maximumf %get3A_350, %max3A_352 : vector<1250x64xf32>
    %get3A_354 = arith.constant 0 : index
    %get3A_355 = arith.constant 0 : index
    %get3A_356 = arith.constant 6 : index
    %get3A_357 = arith.constant 0 : index
    %get3A_358 = vector.load %arg1[%get3A_354, %get3A_355, %get3A_356, %get3A_357] : memref<2x1250x8x64xf32, #tpu.memory_space<vmem>>, vector<1x1250x1x64xf32>
    %get3A_359 = vector.shape_cast %get3A_358 : vector<1x1250x1x64xf32> to vector<1250x64xf32>
    %get3A_360 = arith.constant 1 : index
    %get3A_361 = arith.constant 0 : index
    %get3A_362 = arith.constant 6 : index
    %get3A_363 = arith.constant 0 : index
    %get3A_364 = vector.load %arg1[%get3A_360, %get3A_361, %get3A_362, %get3A_363] : memref<2x1250x8x64xf32, #tpu.memory_space<vmem>>, vector<1x1250x1x64xf32>
    %get3A_365 = vector.shape_cast %get3A_364 : vector<1x1250x1x64xf32> to vector<1250x64xf32>
    %add3A_366 = arith.addf %get3A_359, %get3A_365 : vector<1250x64xf32>
    %div3A_367 = vector.broadcast %max3A_345 : vector<1250x1xf32> to vector<1250x64xf32>
    %div3A_368 = arith.divf %add3A_366, %div3A_367 : vector<1250x64xf32>
    %max3A_369 = arith.constant 0.000000e+00 : f32
    %max3A_370 = vector.broadcast %max3A_369 : f32 to vector<1250x64xf32>
    %max3A_371 = arith.maximumf %div3A_368, %max3A_370 : vector<1250x64xf32>
    %get3A_372 = arith.constant 6 : index
    %get3A_373 = arith.constant 0 : index
    %get3A_374 = arith.constant 0 : index
    %get3A_375 = vector.load %arg3[%get3A_372, %get3A_373, %get3A_374] : memref<8x128x256xf32, #tpu.memory_space<vmem>>, vector<1x64x256xf32>
    %get3A_376 = vector.shape_cast %get3A_375 : vector<1x64x256xf32> to vector<64x256xf32>
    %dot_general3A_377 = arith.constant dense<0.000000e+00> : vector<1250x256xf32>
    %dot_general3A_378 = tpu.matmul %max3A_353, %get3A_376, %dot_general3A_377 {dimension_numbers = #tpu.dot_dimension_numbers<[1], [0], [0], [1], [0, 0, 1, 1], [], []>, transpose_lhs_hint = false} : vector<1250x64xf32>, vector<64x256xf32>, vector<1250x256xf32> -> vector<1250x256xf32>
    %add3A_379 = arith.addf %add3A_331, %dot_general3A_378 : vector<1250x256xf32>
    %get3A_380 = arith.constant 6 : index
    %get3A_381 = arith.constant 64 : index
    %get3A_382 = arith.constant 0 : index
    %get3A_383 = vector.load %arg3[%get3A_380, %get3A_381, %get3A_382] : memref<8x128x256xf32, #tpu.memory_space<vmem>>, vector<1x64x256xf32>
    %get3A_384 = vector.shape_cast %get3A_383 : vector<1x64x256xf32> to vector<64x256xf32>
    %dot_general3A_385 = arith.constant dense<0.000000e+00> : vector<1250x256xf32>
    %dot_general3A_386 = tpu.matmul %max3A_371, %get3A_384, %dot_general3A_385 {dimension_numbers = #tpu.dot_dimension_numbers<[1], [0], [0], [1], [0, 0, 1, 1], [], []>, transpose_lhs_hint = false} : vector<1250x64xf32>, vector<64x256xf32>, vector<1250x256xf32> -> vector<1250x256xf32>
    %add3A_387 = arith.addf %add3A_379, %dot_general3A_386 : vector<1250x256xf32>
    %get3A_388 = arith.constant 0 : index
    %get3A_389 = arith.constant 7 : index
    %get3A_390 = arith.constant 0 : index
    %get3A_391 = vector.load %arg2[%get3A_388, %get3A_389, %get3A_390] : memref<1250x8x2xf32, #tpu.memory_space<vmem>>, vector<1250x1x1xf32>
    %get3A_392 = vector.shape_cast %get3A_391 : vector<1250x1x1xf32> to vector<1250x1xf32>
    %get3A_393 = arith.constant 0 : index
    %get3A_394 = arith.constant 7 : index
    %get3A_395 = arith.constant 1 : index
    %get3A_396 = vector.load %arg2[%get3A_393, %get3A_394, %get3A_395] : memref<1250x8x2xf32, #tpu.memory_space<vmem>>, vector<1250x1x1xf32>
    %get3A_397 = vector.shape_cast %get3A_396 : vector<1250x1x1xf32> to vector<1250x1xf32>
    %add3A_398 = arith.addf %get3A_392, %get3A_397 : vector<1250x1xf32>
    %max3A_399 = arith.constant 1.000000e+00 : f32
    %max3A_400 = vector.broadcast %max3A_399 : f32 to vector<1250x1xf32>
    %max3A_401 = arith.maximumf %add3A_398, %max3A_400 : vector<1250x1xf32>
    %get3A_402 = arith.constant 0 : index
    %get3A_403 = arith.constant 7 : index
    %get3A_404 = arith.constant 0 : index
    %get3A_405 = vector.load %arg0[%get3A_402, %get3A_403, %get3A_404] : memref<1250x8x64xf32, #tpu.memory_space<vmem>>, vector<1250x1x64xf32>
    %get3A_406 = vector.shape_cast %get3A_405 : vector<1250x1x64xf32> to vector<1250x64xf32>
    %max3A_407 = arith.constant 0.000000e+00 : f32
    %max3A_408 = vector.broadcast %max3A_407 : f32 to vector<1250x64xf32>
    %max3A_409 = arith.maximumf %get3A_406, %max3A_408 : vector<1250x64xf32>
    %get3A_410 = arith.constant 0 : index
    %get3A_411 = arith.constant 0 : index
    %get3A_412 = arith.constant 7 : index
    %get3A_413 = arith.constant 0 : index
    %get3A_414 = vector.load %arg1[%get3A_410, %get3A_411, %get3A_412, %get3A_413] : memref<2x1250x8x64xf32, #tpu.memory_space<vmem>>, vector<1x1250x1x64xf32>
    %get3A_415 = vector.shape_cast %get3A_414 : vector<1x1250x1x64xf32> to vector<1250x64xf32>
    %get3A_416 = arith.constant 1 : index
    %get3A_417 = arith.constant 0 : index
    %get3A_418 = arith.constant 7 : index
    %get3A_419 = arith.constant 0 : index
    %get3A_420 = vector.load %arg1[%get3A_416, %get3A_417, %get3A_418, %get3A_419] : memref<2x1250x8x64xf32, #tpu.memory_space<vmem>>, vector<1x1250x1x64xf32>
    %get3A_421 = vector.shape_cast %get3A_420 : vector<1x1250x1x64xf32> to vector<1250x64xf32>
    %add3A_422 = arith.addf %get3A_415, %get3A_421 : vector<1250x64xf32>
    %div3A_423 = vector.broadcast %max3A_401 : vector<1250x1xf32> to vector<1250x64xf32>
    %div3A_424 = arith.divf %add3A_422, %div3A_423 : vector<1250x64xf32>
    %max3A_425 = arith.constant 0.000000e+00 : f32
    %max3A_426 = vector.broadcast %max3A_425 : f32 to vector<1250x64xf32>
    %max3A_427 = arith.maximumf %div3A_424, %max3A_426 : vector<1250x64xf32>
    %get3A_428 = arith.constant 7 : index
    %get3A_429 = arith.constant 0 : index
    %get3A_430 = arith.constant 0 : index
    %get3A_431 = vector.load %arg3[%get3A_428, %get3A_429, %get3A_430] : memref<8x128x256xf32, #tpu.memory_space<vmem>>, vector<1x64x256xf32>
    %get3A_432 = vector.shape_cast %get3A_431 : vector<1x64x256xf32> to vector<64x256xf32>
    %dot_general3A_433 = arith.constant dense<0.000000e+00> : vector<1250x256xf32>
    %dot_general3A_434 = tpu.matmul %max3A_409, %get3A_432, %dot_general3A_433 {dimension_numbers = #tpu.dot_dimension_numbers<[1], [0], [0], [1], [0, 0, 1, 1], [], []>, transpose_lhs_hint = false} : vector<1250x64xf32>, vector<64x256xf32>, vector<1250x256xf32> -> vector<1250x256xf32>
    %add3A_435 = arith.addf %add3A_387, %dot_general3A_434 : vector<1250x256xf32>
    %get3A_436 = arith.constant 7 : index
    %get3A_437 = arith.constant 64 : index
    %get3A_438 = arith.constant 0 : index
    %get3A_439 = vector.load %arg3[%get3A_436, %get3A_437, %get3A_438] : memref<8x128x256xf32, #tpu.memory_space<vmem>>, vector<1x64x256xf32>
    %get3A_440 = vector.shape_cast %get3A_439 : vector<1x64x256xf32> to vector<64x256xf32>
    %dot_general3A_441 = arith.constant dense<0.000000e+00> : vector<1250x256xf32>
    %dot_general3A_442 = tpu.matmul %max3A_427, %get3A_440, %dot_general3A_441 {dimension_numbers = #tpu.dot_dimension_numbers<[1], [0], [0], [1], [0, 0, 1, 1], [], []>, transpose_lhs_hint = false} : vector<1250x64xf32>, vector<64x256xf32>, vector<1250x256xf32> -> vector<1250x256xf32>
    %add3A_443 = arith.addf %add3A_435, %dot_general3A_442 : vector<1250x256xf32>
    %get3A_444 = arith.constant 0 : index
    %get3A_445 = arith.constant 0 : index
    %get3A_446 = vector.load %arg4[%get3A_444, %get3A_445] : memref<1x256xf32, #tpu.memory_space<vmem>>, vector<1x256xf32>
    %add3A_447 = vector.broadcast %get3A_446 : vector<1x256xf32> to vector<1250x256xf32>
    %add3A_448 = arith.addf %add3A_443, %add3A_447 : vector<1250x256xf32>
    %tanh3A = math.tanh %add3A_448 : vector<1250x256xf32>
    %get3A_449 = arith.constant 0 : index
    %get3A_450 = arith.constant 0 : index
    %get3A_451 = vector.load %arg5[%get3A_449, %get3A_450] : memref<256x256xf32, #tpu.memory_space<vmem>>, vector<256x256xf32>
    %dot_general3A_452 = arith.constant dense<0.000000e+00> : vector<1250x256xf32>
    %dot_general3A_453 = tpu.matmul %tanh3A, %get3A_451, %dot_general3A_452 {dimension_numbers = #tpu.dot_dimension_numbers<[1], [0], [0], [1], [0, 0, 1, 1], [], []>, transpose_lhs_hint = false} : vector<1250x256xf32>, vector<256x256xf32>, vector<1250x256xf32> -> vector<1250x256xf32>
    %get3A_454 = arith.constant 0 : index
    %get3A_455 = arith.constant 0 : index
    %get3A_456 = vector.load %arg6[%get3A_454, %get3A_455] : memref<1x256xf32, #tpu.memory_space<vmem>>, vector<1x256xf32>
    %add3A_457 = vector.broadcast %get3A_456 : vector<1x256xf32> to vector<1250x256xf32>
    %add3A_458 = arith.addf %dot_general3A_453, %add3A_457 : vector<1250x256xf32>
    %tanh3A_459 = math.tanh %add3A_458 : vector<1250x256xf32>
    %get3A_460 = arith.constant 0 : index
    %get3A_461 = arith.constant 0 : index
    %get3A_462 = vector.load %arg7[%get3A_460, %get3A_461] : memref<256x8xf32, #tpu.memory_space<vmem>>, vector<256x8xf32>
    %dot_general3A_463 = arith.constant dense<0.000000e+00> : vector<1250x8xf32>
    %dot_general3A_464 = tpu.matmul %tanh3A_459, %get3A_462, %dot_general3A_463 {dimension_numbers = #tpu.dot_dimension_numbers<[1], [0], [0], [1], [0, 0, 1, 1], [], []>, transpose_lhs_hint = false} : vector<1250x256xf32>, vector<256x8xf32>, vector<1250x8xf32> -> vector<1250x8xf32>
    %get3A_465 = arith.constant 0 : index
    %get3A_466 = arith.constant 0 : index
    %get3A_467 = vector.load %arg8[%get3A_465, %get3A_466] : memref<1x8xf32, #tpu.memory_space<vmem>>, vector<1x8xf32>
    %add3A_468 = vector.broadcast %get3A_467 : vector<1x8xf32> to vector<1250x8xf32>
    %add3A_469 = arith.addf %dot_general3A_464, %add3A_468 : vector<1250x8xf32>
    %get3A_470 = arith.constant 0 : index
    %get3A_471 = arith.constant 0 : index
    %get3A_472 = vector.load %arg10[%get3A_470, %get3A_471] : memref<1x8xf32, #tpu.memory_space<vmem>>, vector<1x8xf32>
    %get3A_473 = arith.constant 0 : index
    %get3A_474 = arith.constant 0 : index
    %get3A_475 = vector.load %arg9[%get3A_473, %get3A_474] : memref<1250x8xf32, #tpu.memory_space<vmem>>, vector<1250x8xf32>
    %sub3A = arith.subf %get3A_475, %add3A_469 : vector<1250x8xf32>
    %neg3A = arith.constant 0.000000e+00 : f32
    %neg3A_476 = vector.broadcast %neg3A : f32 to vector<1x8xf32>
    %neg3A_477 = arith.subf %neg3A_476, %get3A_472 : vector<1x8xf32>
    %exp3A = math.exp %neg3A_477 : vector<1x8xf32>
    %mul3A = vector.broadcast %exp3A : vector<1x8xf32> to vector<1250x8xf32>
    %mul3A_478 = arith.mulf %sub3A, %mul3A : vector<1250x8xf32>
    %mul3A_479 = arith.constant -5.000000e-01 : f32
    %mul3A_480 = vector.broadcast %mul3A_479 : f32 to vector<1250x8xf32>
    %mul3A_481 = arith.mulf %mul3A_480, %mul3A_478 : vector<1250x8xf32>
    %mul3A_482 = arith.mulf %mul3A_481, %mul3A_478 : vector<1250x8xf32>
    %sub3A_483 = vector.broadcast %get3A_472 : vector<1x8xf32> to vector<1250x8xf32>
    %sub3A_484 = arith.subf %mul3A_482, %sub3A_483 : vector<1250x8xf32>
    %log3A = arith.constant 6.28318548 : f32
    %log3A_485 = math.log %log3A : f32
    %mul3A_486 = arith.constant 5.000000e-01 : f32
    %mul3A_487 = arith.mulf %mul3A_486, %log3A_485 : f32
    %sub3A_488 = vector.broadcast %mul3A_487 : f32 to vector<1250x8xf32>
    %sub3A_489 = arith.subf %sub3A_484, %sub3A_488 : vector<1250x8xf32>
    %reduce_sum3A = arith.constant dense<0.000000e+00> : vector<1250xf32>
    %reduce_sum3A_490 = vector.multi_reduction <add>, %sub3A_489, %reduce_sum3A [1] : vector<1250x8xf32> to vector<1250xf32>
    %broadcast_in_dim3A_491 = vector.shape_cast %reduce_sum3A_490 : vector<1250xf32> to vector<1250x1xf32>
    %swap3A = arith.constant 0 : index
    %swap3A_492 = arith.constant 0 : index
    %swap3A_493 = vector.load %arg11[%swap3A, %swap3A_492] : memref<1250x8xf32, #tpu.memory_space<vmem>>, vector<1250x8xf32>
    tpu.vector_store %arg11[%swap3A, %swap3A_492], %add3A_469 {strides = array<i32>} : memref<1250x8xf32, #tpu.memory_space<vmem>>, vector<1250x8xf32>,
    %swap3A_494 = arith.constant 0 : index
    %swap3A_495 = arith.constant 0 : index
    %swap3A_496 = vector.load %arg12[%swap3A_494, %swap3A_495] : memref<1250x1xf32, #tpu.memory_space<vmem>>, vector<1250x1xf32>
    tpu.vector_store %arg12[%swap3A_494, %swap3A_495], %broadcast_in_dim3A_491 {strides = array<i32>} : memref<1250x1xf32, #tpu.memory_space<vmem>>, vector<1250x1xf32>,
    return
  }
}

</mosaic_0001>

<sc_bundles>
// kernel: kernel.10.cloned.1.call-start
scs
__scs_entry_jumppad:
0x0: {  	(pc) =	sbr.rel $0x88, $3  }
0x1: {  	(tag) =	ssettag $0x0;
	lr =	simm.s32 $0x1  }
0x2: {  	[smem:$0x3F93] =	sst lr;
	_ =	strace $0xD0000000  }
0x3: {  	_ = 	snop  }
0x4: {  	_ = 	snop  }
0x5: {  	_ = 	snop  }
0x6: {  	_ = 	snop  }
0x7: {  	_ = 	snop  }
__scs_overlays_trampoline_lowered:
0x8: {  	[smem:$0x3FA2] =	sst s0  }
0x9: {  	[smem:$0x3FA3] =	sst s1  }
0xa: {  	[smem:$0x3FA4] =	sst s2  }
0xb: {  	[smem:$0x3FA5] =	sst s3  }
0xc: {  	[smem:$0x3FA6] =	sst s4  }
0xd: {  	[smem:$0x3FA7] =	sst s5  }
0xe: {  	[smem:$0x3FA8] =	sst s6  }
0xf: {  	[smem:$0x3FA9] =	sst s7  }
0x10: {  	[smem:$0x3FAA] =	sst s8  }
0x11: {  	[smem:$0x3FAB] =	sst s9;
	s0 =	simm.s32 @!p0 $0x0  }
0x12: {  	s1 =	sld [smem:$0x3F91];
	s0 =	simm.s32 @p0 $0x1  }
0x13: {  	[smem:$0x3FAC] =	sst s0;
	s0 =	simm.s32 @!p1 $0x0  }
0x14: {  	s2 =	sld [smem:$0x3F90];
	s0 =	simm.s32 @p1 $0x1  }
0x15: {  	[smem:$0x3FAD] =	sst s0;
	s0 =	simm.s32 @!p2 $0x0  }
0x16: {  	s3 =	sld [smem:$0x3FDB];
	s0 =	simm.s32 @p2 $0x1  }
0x17: {  	s4 =	simm.s32 $0x1BF5;
	[smem:$0x3FAF] =	sst s0  }
0x18: {  	s0 =	sld [smem:$0x3F92];
	_ =	swait.ge [sflag:s4], $0x0  }
0x19: {  	s7 =	sld [smem:$0x3F93]  }
0x1a: {  	s8 =	sadd.s32 $0xFFFFE003, lr  }
0x1b: {  	s9 =	sadd.s32 $0xFFFFFEF7, lr;
	s5 =	simm.s32 $0xFFFFFFFF;
	p2 =	slt.u32 s8, $0xFFFFF086  }
0x1c: {  	p1 =	slt.u32 s9, $0xF7A;
	s5 =	simm.s32 @!p2 $0x0  }
0x1d: {  	s5 =	simm.s32 @p1 $0x1;
	p0 =	seq.s32 s7, s2  }
0x1e: {  	s7 =	smul.u32 @!p0 $0xF7A, s2;
	p2 =	seq.s32 @!p0 s5, $0x0  }
0x1f: {  	s9 =	smul.u32 $0xF7A, s1;
	s8 =	simm.s32 @!p0 $0x1BF5;
	p2 =	por !p2, p0  }
0x20: {  	[sflag:s8] =	ssyncset.s32 @!p0 $0xFFFFF086;
	s6 =	sadd.s32 @!p0 s3, s7;
	s7 =	simm.s32 @!p0 $0x108  }
0x21: {  	s3 =	sadd.s32 s3, s9;
	s6 =	sadd.s32 @!p0 $0x88, s6;
	s7 =	simm.s32 @p2 $0x1082  }
0x22: {  	[simem:s7], [sflag:s8] =	dma.local @!p0 [hbm:s6], $0xF7A  }
0x23: {  	s9 =	sor.u32 $0xD0000000, s2;
	s6 =	simm.s32 $0x108;
	_ =	swait.ge @!p0 [sflag:s8], $0x0  }
0x24: {  	s3 =	sadd.s32 $0x88, s3;
	s6 =	simm.s32 @!p1 $0x1082;
	[sflag:s4] =	ssyncset.s32 $0xFFFFF086  }
0x25: {  	[simem:s6], [sflag:s4] =	dma.local [hbm:s3], $0xF7A  }
0x26: {  	[smem:$0x3F93] =	sst s1;
	(tag) =	ssettag s2;
	_ =	strace s9  }
0x27: {  	s1 =	sld [smem:$0x3FA3]  }
0x28: {  	s2 =	sld [smem:$0x3FA4]  }
0x29: {  	s4 =	sld [smem:$0x3FA6]  }
0x2a: {  	p0 =	seq.s32 s5, $0x0;
	s5 =	sld [smem:$0x3FA7]  }
0x2b: {  	s6 =	sld [smem:$0x3FA8]  }
0x2c: {  	s7 =	sld [smem:$0x3FA9]  }
0x2d: {  	s3 =	simm.s32 $0x108;
	s8 =	sld [smem:$0x3FAA]  }
0x2e: {  	s3 =	simm.s32 @!p0 $0x1082;
	s9 =	sld [smem:$0x3FAB]  }
0x2f: {  	lr =	sadd.s32 s0, s3;
	s0 =	sld [smem:$0x3FA2]  }
0x30: {  	s3 =	sld [smem:$0x3FA5]  }
0x31: {  	[smem:$0x3FAE] =	sst s10  }
0x32: {  	s10 =	sld [smem:$0x3FAC];
	_ =	sdelay $0x3  }
0x33: {  	p0 =	seq.s32 s10, $0x1;
	s10 =	sld [smem:$0x3FAE];
	_ =	sdelay $0x3  }
0x34: {  	[smem:$0x3FAE] =	sst s10  }
0x35: {  	s10 =	sld [smem:$0x3FAD];
	_ =	sdelay $0x3  }
0x36: {  	p1 =	seq.s32 s10, $0x1;
	s10 =	sld [smem:$0x3FAE];
	_ =	sdelay $0x3  }
0x37: {  	[smem:$0x3FAE] =	sst s10  }
0x38: {  	s10 =	sld [smem:$0x3FAF]  }
0x39: {  	_ = 	snop;
	(pc) =	sbr.ind lr, $3  }
0x3a: {  	_ = 	snop  }
0x3b: {  	_ = 	snop  }
0x3c: {  	p2 =	seq.s32 s10, $0x1;
	s10 =	sld [smem:$0x3FAE]  }
0x3d: {  	_ =	shalt  }
0x3e: {  	_ =	shalt  }
0x3f: {  	_ =	shalt  }
0x40: {  	_ =	shalt  }
0x41: {  	_ =	shalt  }
0x42: {  	_ =	shalt  }
0x43: {  	_ =	shalt  }
0x44: {  	_ =	shalt  }
0x45: {  	_ =	shalt  }
0x46: {  	_ =	shalt  }
0x47: {  	_ =	shalt  }
0x48: {  	_ =	shalt  }
0x49: {  	_ =	shalt  }
0x4a: {  	_ =	shalt  }
0x4b: {  	_ =	shalt  }
0x4c: {  	_ =	shalt  }
0x4d: {  	_ =	shalt  }
0x4e: {  	_ =	shalt  }
0x4f: {  	_ =	shalt  }
0x50: {  	_ =	shalt  }
0x51: {  	_ =	shalt  }
0x52: {  	_ =	shalt  }
0x53: {  	_ =	shalt  }
0x54: {  	_ =	shalt  }
0x55: {  	_ =	shalt  }
0x56: {  	_ =	shalt  }
0x57: {  	_ =	shalt  }
0x58: {  	_ =	shalt  }
0x59: {  	_ =	shalt  }
0x5a: {  	_ =	shalt  }
0x5b: {  	_ =	shalt  }
0x5c: {  	_ =	shalt  }
0x5d: {  	_ =	shalt  }
0x5e: {  	_ =	shalt  }
0x5f: {  	_ =	shalt  }
0x60: {  	_ =	shalt  }
0x61: {  	_ =	shalt  }
0x62: {  	_ =	shalt  }
0x63: {  	_ =	shalt  }
0x64: {  	_ =	shalt  }
0x65: {  	_ =	shalt  }
0x66: {  	_ =	shalt  }
0x67: {  	_ =	shalt  }
0x68: {  	_ =	shalt  }
0x69: {  	_ =	shalt  }
0x6a: {  	_ =	shalt  }
0x6b: {  	_ =	shalt  }
0x6c: {  	_ =	shalt  }
0x6d: {  	_ =	shalt  }
0x6e: {  	_ =	shalt  }
0x6f: {  	_ =	shalt  }
0x70: {  	_ =	shalt  }
0x71: {  	_ =	shalt  }
0x72: {  	_ =	shalt  }
0x73: {  	_ =	shalt  }
0x74: {  	_ =	shalt  }
0x75: {  	_ =	shalt  }
0x76: {  	_ =	shalt  }
0x77: {  	_ =	shalt  }
0x78: {  	_ =	shalt  }
0x79: {  	_ =	shalt  }
0x7a: {  	_ =	shalt  }
0x7b: {  	_ =	shalt  }
0x7c: {  	_ =	shalt  }
0x7d: {  	_ =	shalt  }
0x7e: {  	_ =	shalt  }
0x7f: {  	_ =	shalt  }
0x80: {  	_ =	shalt  }
0x81: {  	_ =	shalt  }
0x82: {  	_ =	shalt  }
0x83: {  	_ =	shalt  }
0x84: {  	_ =	shalt  }
0x85: {  	_ =	shalt  }
0x86: {  	_ =	shalt  }
0x87: {  	_ =	shalt  }
.Lfunc_end0:
.L_simem_size_0:
called_computation.1_lowered:
.L_overlay_start_0:
0x88: {  	s2 =	sld [smem:$0x3FD9]  }
0x89: {  	s3 =	sld [smem:$0x3FFE];
	_ =	sdelay $0x1  }
0x8a: {  	s1 =	srdreg.scid  }
0x8b: {  	s0 =	sand.u32 $0x1, s1  }
0x8c: {  	s16 =	sshll.u32 s0, $0xA;
	s2 =	sadd.s32 s3, s2  }
0x8d: {  	s2 =	sadd.s32 s2, s16  }
0x8e: {  	[smem:$0x3FBA] =	sst s2  }
0x8f: {  	_ = 	snop  }
0x90: {  	(tm) =	ssettm $0x1  }
0x91: {  	s17 =	sld [smem:$0x3FFB];
	_ =	sdelay $0x3  }
0x92: {  	_ =	strace s17  }
0x93: {  	s2 =	sld [smem:$0x3FFC];
	_ =	sdelay $0x3  }
0x94: {  	_ =	strace s2  }
0x95: {  	s2 =	sld [smem:$0x3FFD];
	_ =	sdelay $0x3  }
0x96: {  	_ =	strace s2  }
0x97: {  	_ =	strace $0x8FFFFFFF  }
0x98: {  	s18 =	sld [smem:$0x3FDB];
	_ =	sdelay $0x1  }
0x99: {  	s19 =	simm.s32 $_scs_section_size  }
0x9a: {  	s4 =	simm.s32 $_size__tile_overlayer_lowered;
	s5 =	simm.s32 $_tile_overlayer_lowered  }
0x9b: {  	s22 =	simm.s32 $0x1BFF;
	s21 =	sshll.u32 s5, $0x1;
	s2 =	sadd.s32 s19, s18  }
0x9c: {  	s6 =	simm.s32 $0x0;
	s20 =	sshll.u32 s4, $0x1;
	s4 =	sadd.s32 s21, s2  }
0x9d: {  	[timem:s6], [sflag:s22] =	dma.local [hbm:s4], s20  }
0x9e: {  	_ =	swait.ge [sflag:s22], s20  }
0x9f: {  	s3 =	ssub.s32 $0x0, s20;
	[sflag:s22] =	ssyncset.done $0x0  }
0xa0: {  	[sflag:s22] =	ssyncadd.s32 s3;
	_ =	sdelay $0x1  }
0xa1: {  	s23 =	simm.s32 $0x1B8B  }
0xa2: {  	_ =	swait.ge [sflag:s23], $0x1  }
0xa3: {  	[sflag:s23] =	ssyncset.done $0x0  }
0xa4: {  	s25 =	simm.s32 $0x1B8E;
	s24 =	sld [smem:$0x3FFE];
	[sflag:s23] =	ssyncadd.s32 $0xFFFFFFFF  }
0xa5: {  	s26 =	simm.s32 $execute0_lowered;
	[smem:$0x3FD2] =	sst s25  }
0xa6: {  	s4 =	sshll.u32 s26, $0x1;
	_ =	strace $0x80000049;
	[dreg:$0x1] =	wrdreg $0xFFFFFFFF  }
0xa7: {  	s28 =	simm.s32 $_size_execute0_lowered;
	s2 =	sadd.s32 s2, s4;
	[dreg:$0x0] =	wrdreg $0x0  }
0xa8: {  	s4 =	sshll.u32 s28, $0x1;
	[dreg:$0x2] =	wrdreg s2  }
0xa9: {  	[dreg:$0x3] =	wrdreg s4  }
0xaa: {  	[dreg:$0x4] =	wrdreg $0xC0  }
0xab: {  	_ =	task [dreg:s6], $0x5FFFF  }
0xac: {  	[dreg:$0x1] =	wrdreg $0xFFFFFFFF  }
0xad: {  	[dreg:$0x0] =	wrdreg $0x60  }
0xae: {  	[dreg:$0x2] =	wrdreg s24  }
0xaf: {  	[dreg:$0x3] =	wrdreg $0x6F000  }
0xb0: {  	[dreg:$0x4] =	wrdreg $0x9  }
0xb1: {  	_ =	task.clear_ibuf [dreg:s6], $0x5FFFF;
	_ =	strace $0x90000049  }
0xb2: {  	s29 =	simm.s32 $0x9;
	_ =	strace $0x8000004B  }
0xb3: {  	_ =	swait.ge [sflag:s29], $0x1  }
0xb4: {  	[sflag:s29] =	ssyncadd.s32 $0xFFFFFFFF  }
0xb5: {  	_ =	strace $0x9000004B  }
0xb6: {  	_ =	sfence  }
0xb7: {  	s30 =	sld [smem:$0x0];
	_ =	sdelay $0x2  }
0xb8: {  	s31 =	sshll.u32 s1, $0xD;
	s1 =	sshrl.u32 s1, $0x2  }
0xb9: {  	s3 =	sand.u32 $0x4000, s31;
	s1 =	sadd.s32 s1, s30  }
0xba: {  	s0 =	sor.u32 s3, s0;
	s1 =	sshll.u32 s1, $0x11  }
0xbb: {  	s0 =	sor.u32 s1, s0  }
0xbc: {  	s0 =	sadd.s32 $0x8F2B, s0  }
0xbd: {  	[sflag:s0] =	ssyncadd.remote.s32 $0x1  }
0xbe: {  	_ =	sfence.sel $0xFFFF  }
0xbf: {  	[dreg:$0x0] =	wrdreg $0xFFFFFFFF;
	(pc) =	sbr.abs _section_cstart, $3  }
0xc0: {  	[dreg:$0x1] =	wrdreg $0xFFFFFFFF  }
0xc1: {  	_ =	task.clear_ibuf [dreg:s6], $0x2FFFF;
	_ =	strace $0x9FFFFFFF  }
0xc2: {  	(tm) =	ssettm $0x7FFFFFFF  }
0xc3: {  	_ =	shalt  }
tec
execute0_lowered:
.L_overlay_start_1:
0x0: {  	(tag) =	ssettag $0x1  }
0x1: {  	s5 =	rddreg [dreg:$0x0]  }
0x2: {  	s2 =	rddreg [dreg:$0x1]  }
0x3: {  	s0 =	rddreg [dreg:$0x2];
	s4 =	srdreg.scid  }
0x4: {  	s1 =	stileid.u32;
	s3 =	simm.s32 $0x0;
	s14 =	simm.s32 $0x2  }
0x5: {  	s15 =	simm.s32 $0x2780;
	s16 =	simm.s32 $0x4F00;
	s17 =	simm.s32 $0x80  }
0x6: {  	s18 =	simm.s32 $0x1;
	s21 =	simm.s32 $0x0;
	s6 =	sand.u32 $0x1, s4  }
0x7: {  	s7 =	smul.u32 $0xA000, s1;
	[smem:$0x7FF] =	sst s3;
	s29 =	sshll.u32 s1, $0x1  }
0x8: {  	s4 =	sadd.s32 $0x2C00, s5;
	s10 =	smul.u32 $0x28000, s1;
	s19 =	sshll.u32 s1, $0x6  }
0x9: {  	s8 =	smul.u32 $0xA0000, s6;
	_ =	strace $0x8000004A;
	s9 =	sor.u32 s6, s29  }
0xa: {  	s6 =	ssub.s32 $0x2, s6;
	s19 =	sor.u32 $0x1C02, s19;
	s9 =	smul.u32 $0x4F0, s9  }
0xb: {  	s30 =	sshrl.u32 s6, $0x1;
	s31 =	sshrl.u32 s10, $0x2;
	s8 =	sadd.s32 s7, s8  }
0xc: {  	s13 =	ssub.s32 s6, s30;
	s7 =	sadd.s32 s7, s2;
	s11 =	sadd.s32 s31, s2  }
0xd: {  	s8 =	sshrl.u32 s8, $0x3;
	s9 =	sadd.s32 s9, s5;
	s10 =	sadd.s32 $0x6000, s11  }
0xe: {  	s13 =	smax.u32 s13, $0x1;
	s20 =	sshrl.u32 s7, $0x3;
	s12 =	sadd.s32 s8, s5  }
0xf: {  	s5 =	sadd.s32 $0x20400, s9;
	s6 =	sadd.s32 $0x16600, s9;
	s8 =	sadd.s32 $0x2000, s11  }
0x10: {  	v0 =	vimm.f32 $0.0e+00;
	s9 =	sadd.s32 $0x4000, s11;
	s11 =	sadd.s32 $0x8000, s11;
	s12 =	sadd.s32 $0x2A200, s12  }
.LBB2_1:
0x11: {  	[tilespmem:s3], [sflag:$0x2] =	stream.linear.gather [hbm4b:s5+s3], $0x2780, $0x38;
	[tilespmem:$0x10F00] =	vst v63  }
0x12: {  	_ =	swait.ge [sflag:s14], $0x2780  }
0x13: {  	[sflag:s14] =	ssyncset.done $0x0  }
0x14: {  	[sflag:s14] =	ssyncadd.s32 $0xFFFFD880  }
0x15: {  	[tilespmem:s15], [sflag:$0x2] =	stream.linear.gather [hbm4b:s6+s3], $0x2780, $0x38;
	[tilespmem:$0x10F00] =	vst v63  }
0x16: {  	_ =	swait.ge [sflag:s14], $0x2780  }
0x17: {  	[sflag:s14] =	ssyncset.done $0x0  }
0x18: {  	s23 =	simm.s32 $0x100;
	s22 =	simm.s32 $0x0;
	[sflag:s14] =	ssyncadd.s32 $0xFFFFD880  }
.LBB2_2:
0x19: {  	p0 =	sne.s32 s23, $0x7F00;
	[tilespmem:s22+$0x4F30] =	vst v0;
	s24 =	smov.u32 s23;
	s23 =	sadd.s32 $0x100, s23  }
.Ltmp0:
0x1a: {  	[tilespmem:s22+$0x4F20] =	vst v0;
	(pc) =	sbr.rel @p0 .LBB2_2-.Ltmp0, $3  }
0x1b: {  	[tilespmem:s22+$0x4F00] =	vst v0  }
0x1c: {  	[tilespmem:s22+$0x4F10] =	vst v0;
	_ =	sdelay $0x1  }
0x1d: {  	s22 =	sshra.s32 s24, $0x2  }
0x1e: {  	[tilespmem:s22+$0x4F30] =	vst v0  }
0x1f: {  	[tilespmem:s22+$0x4F20] =	vst v0  }
0x20: {  	[tilespmem:s22+$0x4F00] =	vst v0  }
0x21: {  	[tilespmem:s22+$0x4F10] =	vst v0  }
0x22: {  	[spmem:s7] =	stream.linear.scatter [tilespmem:s16], [sflag:$0x2], $0x2000, $0x38;
	[tilespmem:$0x10F00] =	vst v63  }
0x23: {  	_ =	swait.ge [sflag:s14], $0x2000  }
0x24: {  	[sflag:s14] =	ssyncset.done $0x0  }
0x25: {  	[sflag:s14] =	ssyncadd.s32 $0xFFFFE000  }
0x26: {  	[spmem:s8] =	stream.linear.scatter [tilespmem:s16], [sflag:$0x2], $0x2000, $0x38;
	[tilespmem:$0x10F00] =	vst v63  }
0x27: {  	_ =	swait.ge [sflag:s14], $0x2000  }
0x28: {  	[sflag:s14] =	ssyncset.done $0x0  }
0x29: {  	[sflag:s14] =	ssyncadd.s32 $0xFFFFE000  }
0x2a: {  	[spmem:s9] =	stream.linear.scatter [tilespmem:s16], [sflag:$0x2], $0x2000, $0x38;
	[tilespmem:$0x10F00] =	vst v63  }
0x2b: {  	_ =	swait.ge [sflag:s14], $0x2000  }
0x2c: {  	[sflag:s14] =	ssyncset.done $0x0  }
0x2d: {  	[sflag:s14] =	ssyncadd.s32 $0xFFFFE000  }
0x2e: {  	[spmem:s10] =	stream.linear.scatter [tilespmem:s16], [sflag:$0x2], $0x2000, $0x38;
	[tilespmem:$0x10F00] =	vst v63  }
0x2f: {  	_ =	swait.ge [sflag:s14], $0x2000  }
0x30: {  	[sflag:s14] =	ssyncset.done $0x0  }
0x31: {  	[sflag:s14] =	ssyncadd.s32 $0xFFFFE000  }
0x32: {  	[spmem:s11] =	stream.linear.scatter [tilespmem:s16], [sflag:$0x2], $0x2000, $0x38;
	[tilespmem:$0x10F00] =	vst v63  }
0x33: {  	_ =	swait.ge [sflag:s14], $0x2000  }
0x34: {  	[sflag:s14] =	ssyncset.done $0x0  }
0x35: {  	[sflag:s14] =	ssyncadd.s32 $0xFFFFE000  }
0x36: {  	s30 =	simm.s32 $0x0;
	[bflag:$0x0] =	sbarrier.arrive $0xFFFF  }
0x37: {  	[tilespmem:s16], [sflag:$0x1] =	stream.indirect.gather [hbm4b:s4+s17], $0x40, s30, s17, $0xb8;
	[tilespmem:$0x10F00] =	vst v63  }
0x38: {  	_ =	swait.ge [sflag:s18], $0x2000  }
0x39: {  	[sflag:s18] =	ssyncset.done $0x0  }
0x3a: {  	s31 =	simm.s32 $0x2780;
	[sflag:s18] =	ssyncadd.s32 $0xFFFFE000  }
0x3b: {  	[spmem:s2] =	stream.indirect.scatter.add.f32 [tilespmem:s16], [sflag:$0x2], $0x40, s31, s17, $0xb8;
	[tilespmem:$0x10F00] =	vst v63  }
0x3c: {  	_ =	swait.ge [sflag:s14], $0x2000  }
0x3d: {  	s22 =	simm.s32 $0x200;
	s23 =	simm.s32 $0x400;
	[sflag:s14] =	ssyncset.done $0x0  }
.LBB2_4:
0x3e: {  	s24 =	sshra.s32 s22, $0x2  }
0x3f: {  	[sflag:s14] =	ssyncadd.s32 $0xFFFFE000;
	s22 =	smov.u32 s23;
	s25 =	sadd.s32 $0x200, s23  }
0x40: {  	[tilespmem:s16], [sflag:$0x1] =	stream.indirect.gather [hbm4b:s4+s17], $0x40, s24, s17, $0xb8;
	[tilespmem:$0x10F00] =	vst v63  }
0x41: {  	p0 =	sne.s32 s23, $0x9C00;
	_ =	swait.ge [sflag:s18], $0x2000  }
.Ltmp1:
0x42: {  	[sflag:s18] =	ssyncset.done $0x0;
	(pc) =	sbr.rel @p0 .LBB2_4-.Ltmp1, $4  }
0x43: {  	s23 =	sadd.s32 $0x2780, s24;
	[sflag:s18] =	ssyncadd.s32 $0xFFFFE000  }
0x44: {  	[spmem:s2] =	stream.indirect.scatter.add.f32 [tilespmem:s16], [sflag:$0x2], $0x40, s23, s17, $0xb8;
	[tilespmem:$0x10F00] =	vst v63  }
0x45: {  	_ =	swait.ge [sflag:s14], $0x2000  }
0x46: {  	s23 =	smov.u32 s25;
	[sflag:s14] =	ssyncset.done $0x0  }
0x47: {  	s22 =	sshra.s32 s22, $0x2;
	[sflag:s14] =	ssyncadd.s32 $0xFFFFE000  }
0x48: {  	[tilespmem:s16], [sflag:$0x1] =	stream.indirect.gather [hbm4b:s4+s17], $0x40, s22, s17, $0xb8;
	[tilespmem:$0x10F00] =	vst v63  }
0x49: {  	_ =	swait.ge [sflag:s18], $0x2000  }
0x4a: {  	[sflag:s18] =	ssyncset.done $0x0  }
0x4b: {  	s22 =	sadd.s32 $0x2780, s22;
	[sflag:s18] =	ssyncadd.s32 $0xFFFFE000  }
0x4c: {  	[spmem:s2] =	stream.indirect.scatter.add.f32 [tilespmem:s16], [sflag:$0x2], $0x40, s22, s17, $0xb8;
	[tilespmem:$0x10F00] =	vst v63  }
0x4d: {  	_ =	swait.ge [sflag:s14], $0x2000  }
0x4e: {  	s21 =	sadd.s32 $0x1, s21;
	[sflag:s14] =	ssyncset.done $0x0  }
0x4f: {  	p0 =	sne.s32 s21, s13;
	[sflag:s14] =	ssyncadd.s32 $0xFFFFE000  }
.Ltmp2:
0x50: {  	[bflag:$0x0] =	sbarrier.arrive $0xFFFF;
	(pc) =	sbr.rel @p0 .LBB2_1-.Ltmp2, $4  }
0x51: {  	[hbm:s12], [sflag:s19] =	dma.local [spmem:s20], $0x1400  }
0x52: {  	_ =	swait.ge [sflag:s14], $0x1400  }
0x53: {  	[sflag:s14] =	ssyncset.done $0x0  }
0x54: {  	[sflag:s14] =	ssyncadd.s32 $0xFFFFEC00  }
0x55: {  	_ =	sfence.sel $0x180000  }
0x56: {  	[bflag:$0x0] =	sbarrier.arrive $0xFFFF  }
0x57: {  	p0 =	sne.s32 s1, $0x0;
	_ =	strace $0x9000004A  }
0x58: {  	s0 =	sadd.s32 @!p0 $0x100000, s0;
	[bflag:$0x2] =	sbarrier.arrive $0xFFFF  }
0x59: {  	[sflag:s0] =	ssyncadd.tile.s32 @!p0 $0x1;
	_ =	shalt  }
.Lfunc_end2:
_tile_overlayer_lowered:
.L_overlay_start_2:
0x5a: {  	(tag) =	ssettag $0x2  }
0x5b: {  	s0 =	rddreg [dreg:$0x0];
	s2 =	stileid.u32  }
0x5c: {  	s1 =	rddreg [dreg:$0x1];
	p0 =	sne.s32 s2, $0x0  }
0x5d: {  	s3 =	rddreg [dreg:$0x2];
	[bflag:$0x3] =	sbarrier.arrive $0xFFFF;
	s2 =	simm.s32 @!p0 $0x1C02  }
0x5e: {  	[timem:s3], [sflag:s2] =	dma.local @!p0 [hbm:s0], s1  }
0x5f: {  	s0 =	simm.s32 @!p0 $0x2  }
0x60: {  	_ =	swait.ge @!p0 [sflag:s0], s1  }
0x61: {  	s1 =	ssub.s32 @!p0 $0x0, s1;
	[sflag:s0] =	ssyncset.done @!p0 $0x0  }
0x62: {  	[sflag:s0] =	ssyncadd.s32 @!p0 s1  }
0x63: {  	[bflag:$0x3] =	sbarrier.arrive $0xFFFF  }
0x64: {  	_ =	shalt  }

// kernel: kernel.7.cloned.1.call-start
scs
__scs_entry_jumppad:
0x0: {  	(pc) =	sbr.rel $0x88, $3  }
0x1: {  	(tag) =	ssettag $0x0;
	lr =	simm.s32 $0x1  }
0x2: {  	[smem:$0x3F93] =	sst lr;
	_ =	strace $0xD0000000  }
0x3: {  	_ = 	snop  }
0x4: {  	_ = 	snop  }
0x5: {  	_ = 	snop  }
0x6: {  	_ = 	snop  }
0x7: {  	_ = 	snop  }
__scs_overlays_trampoline_lowered:
0x8: {  	[smem:$0x3FA2] =	sst s0  }
0x9: {  	[smem:$0x3FA3] =	sst s1  }
0xa: {  	[smem:$0x3FA4] =	sst s2  }
0xb: {  	[smem:$0x3FA5] =	sst s3  }
0xc: {  	[smem:$0x3FA6] =	sst s4  }
0xd: {  	[smem:$0x3FA7] =	sst s5  }
0xe: {  	[smem:$0x3FA8] =	sst s6  }
0xf: {  	[smem:$0x3FA9] =	sst s7  }
0x10: {  	[smem:$0x3FAA] =	sst s8  }
0x11: {  	[smem:$0x3FAB] =	sst s9;
	s0 =	simm.s32 @!p0 $0x0  }
0x12: {  	s1 =	sld [smem:$0x3F91];
	s0 =	simm.s32 @p0 $0x1  }
0x13: {  	[smem:$0x3FAC] =	sst s0;
	s0 =	simm.s32 @!p1 $0x0  }
0x14: {  	s2 =	sld [smem:$0x3F90];
	s0 =	simm.s32 @p1 $0x1  }
0x15: {  	[smem:$0x3FAD] =	sst s0;
	s0 =	simm.s32 @!p2 $0x0  }
0x16: {  	s3 =	sld [smem:$0x3FDB];
	s0 =	simm.s32 @p2 $0x1  }
0x17: {  	s4 =	simm.s32 $0x1BF5;
	[smem:$0x3FAF] =	sst s0  }
0x18: {  	s0 =	sld [smem:$0x3F92];
	_ =	swait.ge [sflag:s4], $0x0  }
0x19: {  	s7 =	sld [smem:$0x3F93]  }
0x1a: {  	s8 =	sadd.s32 $0xFFFFE003, lr  }
0x1b: {  	s9 =	sadd.s32 $0xFFFFFEF7, lr;
	s5 =	simm.s32 $0xFFFFFFFF;
	p2 =	slt.u32 s8, $0xFFFFF086  }
0x1c: {  	p1 =	slt.u32 s9, $0xF7A;
	s5 =	simm.s32 @!p2 $0x0  }
0x1d: {  	s5 =	simm.s32 @p1 $0x1;
	p0 =	seq.s32 s7, s2  }
0x1e: {  	s7 =	smul.u32 @!p0 $0xF7A, s2;
	p2 =	seq.s32 @!p0 s5, $0x0  }
0x1f: {  	s9 =	smul.u32 $0xF7A, s1;
	s8 =	simm.s32 @!p0 $0x1BF5;
	p2 =	por !p2, p0  }
0x20: {  	[sflag:s8] =	ssyncset.s32 @!p0 $0xFFFFF086;
	s6 =	sadd.s32 @!p0 s3, s7;
	s7 =	simm.s32 @!p0 $0x108  }
0x21: {  	s3 =	sadd.s32 s3, s9;
	s6 =	sadd.s32 @!p0 $0x88, s6;
	s7 =	simm.s32 @p2 $0x1082  }
0x22: {  	[simem:s7], [sflag:s8] =	dma.local @!p0 [hbm:s6], $0xF7A  }
0x23: {  	s9 =	sor.u32 $0xD0000000, s2;
	s6 =	simm.s32 $0x108;
	_ =	swait.ge @!p0 [sflag:s8], $0x0  }
0x24: {  	s3 =	sadd.s32 $0x88, s3;
	s6 =	simm.s32 @!p1 $0x1082;
	[sflag:s4] =	ssyncset.s32 $0xFFFFF086  }
0x25: {  	[simem:s6], [sflag:s4] =	dma.local [hbm:s3], $0xF7A  }
0x26: {  	[smem:$0x3F93] =	sst s1;
	(tag) =	ssettag s2;
	_ =	strace s9  }
0x27: {  	s1 =	sld [smem:$0x3FA3]  }
0x28: {  	s2 =	sld [smem:$0x3FA4]  }
0x29: {  	s4 =	sld [smem:$0x3FA6]  }
0x2a: {  	p0 =	seq.s32 s5, $0x0;
	s5 =	sld [smem:$0x3FA7]  }
0x2b: {  	s6 =	sld [smem:$0x3FA8]  }
0x2c: {  	s7 =	sld [smem:$0x3FA9]  }
0x2d: {  	s3 =	simm.s32 $0x108;
	s8 =	sld [smem:$0x3FAA]  }
0x2e: {  	s3 =	simm.s32 @!p0 $0x1082;
	s9 =	sld [smem:$0x3FAB]  }
0x2f: {  	lr =	sadd.s32 s0, s3;
	s0 =	sld [smem:$0x3FA2]  }
0x30: {  	s3 =	sld [smem:$0x3FA5]  }
0x31: {  	[smem:$0x3FAE] =	sst s10  }
0x32: {  	s10 =	sld [smem:$0x3FAC];
	_ =	sdelay $0x3  }
0x33: {  	p0 =	seq.s32 s10, $0x1;
	s10 =	sld [smem:$0x3FAE];
	_ =	sdelay $0x3  }
0x34: {  	[smem:$0x3FAE] =	sst s10  }
0x35: {  	s10 =	sld [smem:$0x3FAD];
	_ =	sdelay $0x3  }
0x36: {  	p1 =	seq.s32 s10, $0x1;
	s10 =	sld [smem:$0x3FAE];
	_ =	sdelay $0x3  }
0x37: {  	[smem:$0x3FAE] =	sst s10  }
0x38: {  	s10 =	sld [smem:$0x3FAF]  }
0x39: {  	_ = 	snop;
	(pc) =	sbr.ind lr, $3  }
0x3a: {  	_ = 	snop  }
0x3b: {  	_ = 	snop  }
0x3c: {  	p2 =	seq.s32 s10, $0x1;
	s10 =	sld [smem:$0x3FAE]  }
0x3d: {  	_ =	shalt  }
0x3e: {  	_ =	shalt  }
0x3f: {  	_ =	shalt  }
0x40: {  	_ =	shalt  }
0x41: {  	_ =	shalt  }
0x42: {  	_ =	shalt  }
0x43: {  	_ =	shalt  }
0x44: {  	_ =	shalt  }
0x45: {  	_ =	shalt  }
0x46: {  	_ =	shalt  }
0x47: {  	_ =	shalt  }
0x48: {  	_ =	shalt  }
0x49: {  	_ =	shalt  }
0x4a: {  	_ =	shalt  }
0x4b: {  	_ =	shalt  }
0x4c: {  	_ =	shalt  }
0x4d: {  	_ =	shalt  }
0x4e: {  	_ =	shalt  }
0x4f: {  	_ =	shalt  }
0x50: {  	_ =	shalt  }
0x51: {  	_ =	shalt  }
0x52: {  	_ =	shalt  }
0x53: {  	_ =	shalt  }
0x54: {  	_ =	shalt  }
0x55: {  	_ =	shalt  }
0x56: {  	_ =	shalt  }
0x57: {  	_ =	shalt  }
0x58: {  	_ =	shalt  }
0x59: {  	_ =	shalt  }
0x5a: {  	_ =	shalt  }
0x5b: {  	_ =	shalt  }
0x5c: {  	_ =	shalt  }
0x5d: {  	_ =	shalt  }
0x5e: {  	_ =	shalt  }
0x5f: {  	_ =	shalt  }
0x60: {  	_ =	shalt  }
0x61: {  	_ =	shalt  }
0x62: {  	_ =	shalt  }
0x63: {  	_ =	shalt  }
0x64: {  	_ =	shalt  }
0x65: {  	_ =	shalt  }
0x66: {  	_ =	shalt  }
0x67: {  	_ =	shalt  }
0x68: {  	_ =	shalt  }
0x69: {  	_ =	shalt  }
0x6a: {  	_ =	shalt  }
0x6b: {  	_ =	shalt  }
0x6c: {  	_ =	shalt  }
0x6d: {  	_ =	shalt  }
0x6e: {  	_ =	shalt  }
0x6f: {  	_ =	shalt  }
0x70: {  	_ =	shalt  }
0x71: {  	_ =	shalt  }
0x72: {  	_ =	shalt  }
0x73: {  	_ =	shalt  }
0x74: {  	_ =	shalt  }
0x75: {  	_ =	shalt  }
0x76: {  	_ =	shalt  }
0x77: {  	_ =	shalt  }
0x78: {  	_ =	shalt  }
0x79: {  	_ =	shalt  }
0x7a: {  	_ =	shalt  }
0x7b: {  	_ =	shalt  }
0x7c: {  	_ =	shalt  }
0x7d: {  	_ =	shalt  }
0x7e: {  	_ =	shalt  }
0x7f: {  	_ =	shalt  }
0x80: {  	_ =	shalt  }
0x81: {  	_ =	shalt  }
0x82: {  	_ =	shalt  }
0x83: {  	_ =	shalt  }
0x84: {  	_ =	shalt  }
0x85: {  	_ =	shalt  }
0x86: {  	_ =	shalt  }
0x87: {  	_ =	shalt  }
.Lfunc_end0:
.L_simem_size_0:
called_computation_lowered:
.L_overlay_start_0:
0x88: {  	s2 =	sld [smem:$0x3FD9]  }
0x89: {  	s3 =	sld [smem:$0x3FFE];
	_ =	sdelay $0x1  }
0x8a: {  	s1 =	srdreg.scid  }
0x8b: {  	s0 =	sand.u32 $0x1, s1  }
0x8c: {  	s16 =	sshll.u32 s0, $0xA;
	s2 =	sadd.s32 s3, s2  }
0x8d: {  	s2 =	sadd.s32 s2, s16  }
0x8e: {  	[smem:$0x3FBA] =	sst s2  }
0x8f: {  	_ = 	snop  }
0x90: {  	(tm) =	ssettm $0x1  }
0x91: {  	s17 =	sld [smem:$0x3FFB];
	_ =	sdelay $0x3  }
0x92: {  	_ =	strace s17  }
0x93: {  	s2 =	sld [smem:$0x3FFC];
	_ =	sdelay $0x3  }
0x94: {  	_ =	strace s2  }
0x95: {  	s2 =	sld [smem:$0x3FFD];
	_ =	sdelay $0x3  }
0x96: {  	_ =	strace s2  }
0x97: {  	_ =	strace $0x8FFFFFFF  }
0x98: {  	s18 =	sld [smem:$0x3FDB];
	_ =	sdelay $0x1  }
0x99: {  	s19 =	simm.s32 $_scs_section_size  }
0x9a: {  	s4 =	simm.s32 $_size__tile_overlayer_lowered;
	s5 =	simm.s32 $_tile_overlayer_lowered  }
0x9b: {  	s22 =	simm.s32 $0x1BFF;
	s21 =	sshll.u32 s5, $0x1;
	s2 =	sadd.s32 s19, s18  }
0x9c: {  	s6 =	simm.s32 $0x0;
	s20 =	sshll.u32 s4, $0x1;
	s4 =	sadd.s32 s21, s2  }
0x9d: {  	[timem:s6], [sflag:s22] =	dma.local [hbm:s4], s20  }
0x9e: {  	_ =	swait.ge [sflag:s22], s20  }
0x9f: {  	s3 =	ssub.s32 $0x0, s20;
	[sflag:s22] =	ssyncset.done $0x0  }
0xa0: {  	[sflag:s22] =	ssyncadd.s32 s3;
	_ =	sdelay $0x1  }
0xa1: {  	s23 =	simm.s32 $0x1B8B  }
0xa2: {  	_ =	swait.ge [sflag:s23], $0x1  }
0xa3: {  	[sflag:s23] =	ssyncset.done $0x0  }
0xa4: {  	s25 =	simm.s32 $0x1B8E;
	s24 =	sld [smem:$0x3FFE];
	[sflag:s23] =	ssyncadd.s32 $0xFFFFFFFF  }
0xa5: {  	s26 =	simm.s32 $execute0_lowered;
	[smem:$0x3FD2] =	sst s25  }
0xa6: {  	s4 =	sshll.u32 s26, $0x1;
	_ =	strace $0x80000046;
	[dreg:$0x1] =	wrdreg $0xFFFFFFFF  }
0xa7: {  	s28 =	simm.s32 $_size_execute0_lowered;
	s2 =	sadd.s32 s2, s4;
	[dreg:$0x0] =	wrdreg $0x0  }
0xa8: {  	s4 =	sshll.u32 s28, $0x1;
	[dreg:$0x2] =	wrdreg s2  }
0xa9: {  	[dreg:$0x3] =	wrdreg s4  }
0xaa: {  	[dreg:$0x4] =	wrdreg $0xC0  }
0xab: {  	_ =	task [dreg:s6], $0x5FFFF  }
0xac: {  	[dreg:$0x1] =	wrdreg $0xFFFFFFFF  }
0xad: {  	[dreg:$0x0] =	wrdreg $0x60  }
0xae: {  	[dreg:$0x2] =	wrdreg s24  }
0xaf: {  	[dreg:$0x3] =	wrdreg $0x6F000  }
0xb0: {  	[dreg:$0x4] =	wrdreg $0x117000  }
0xb1: {  	[dreg:$0x5] =	wrdreg $0x9  }
0xb2: {  	_ =	task.clear_ibuf [dreg:s6], $0x6FFFF;
	_ =	strace $0x90000046  }
0xb3: {  	s29 =	simm.s32 $0x9;
	_ =	strace $0x80000048  }
0xb4: {  	_ =	swait.ge [sflag:s29], $0x1  }
0xb5: {  	[sflag:s29] =	ssyncadd.s32 $0xFFFFFFFF  }
0xb6: {  	_ =	strace $0x90000048  }
0xb7: {  	_ =	sfence  }
0xb8: {  	s30 =	sld [smem:$0x0];
	_ =	sdelay $0x2  }
0xb9: {  	s31 =	sshll.u32 s1, $0xD;
	s1 =	sshrl.u32 s1, $0x2  }
0xba: {  	s3 =	sand.u32 $0x4000, s31;
	s1 =	sadd.s32 s1, s30  }
0xbb: {  	s0 =	sor.u32 s3, s0;
	s1 =	sshll.u32 s1, $0x11  }
0xbc: {  	s0 =	sor.u32 s1, s0  }
0xbd: {  	s0 =	sadd.s32 $0x8F2B, s0  }
0xbe: {  	[sflag:s0] =	ssyncadd.remote.s32 $0x1  }
0xbf: {  	_ =	sfence.sel $0xFFFF  }
0xc0: {  	[dreg:$0x0] =	wrdreg $0xFFFFFFFF;
	(pc) =	sbr.abs _section_cstart, $3  }
0xc1: {  	[dreg:$0x1] =	wrdreg $0xFFFFFFFF  }
0xc2: {  	_ =	task.clear_ibuf [dreg:s6], $0x2FFFF;
	_ =	strace $0x9FFFFFFF  }
0xc3: {  	(tm) =	ssettm $0x7FFFFFFF  }
tec
execute0_lowered:
.L_overlay_start_1:
0x0: {  	(tag) =	ssettag $0x1  }
0x1: {  	s7 =	rddreg [dreg:$0x0]  }
0x2: {  	s1 =	srdreg.scid;
	s2 =	rddreg [dreg:$0x1]  }
0x3: {  	s0 =	stileid.u32;
	s3 =	rddreg [dreg:$0x2]  }
0x4: {  	s4 =	simm.s32 $0x0;
	s21 =	simm.s32 $0x2;
	s9 =	smul.u32 $0xA000, s0  }
0x5: {  	s22 =	simm.s32 $0x2780;
	s23 =	simm.s32 $0x4F00;
	s13 =	smul.u32 $0x2800, s0  }
0x6: {  	s28 =	simm.s32 $0x0;
	s6 =	sand.u32 $0x1, s1;
	s12 =	smul.u32 $0x280, s0  }
0x7: {  	s24 =	sshll.u32 s0, $0x1;
	[smem:$0x7FF] =	sst s4;
	s5 =	smul.u32 $0xA0000, s6  }
0x8: {  	s1 =	sor.u32 s6, s24;
	_ =	strace $0x80000047;
	s11 =	smul.u32 $0x28000, s6  }
0x9: {  	s6 =	ssub.s32 $0x2, s6;
	s24 =	simm.s32 $0x10F00;
	s8 =	smul.u32 $0x4F0, s1  }
0xa: {  	s26 =	sshrl.u32 s6, $0x1;
	s14 =	sadd.s32 $0x80, s12;
	s15 =	sadd.s32 $0x100, s12  }
0xb: {  	s16 =	sadd.s32 $0x180, s12;
	s17 =	sadd.s32 $0x200, s12;
	s10 =	sadd.s32 s9, s5  }
0xc: {  	s5 =	sadd.s32 $0x2C00, s7;
	s11 =	sadd.s32 s13, s11;
	s20 =	ssub.s32 s6, s26  }
0xd: {  	s29 =	sshll.u32 s14, $0x6;
	s30 =	sshll.u32 s15, $0x6;
	s31 =	sshll.u32 s16, $0x6  }
0xe: {  	s12 =	sshll.u32 s17, $0x6;
	s14 =	sshll.u32 s14, $0x4;
	s13 =	sadd.s32 s13, s3  }
0xf: {  	s15 =	sshll.u32 s15, $0x4;
	s16 =	sshll.u32 s16, $0x4;
	s17 =	sshll.u32 s17, $0x4  }
0x10: {  	s26 =	simm.s32 $0x1;
	s8 =	sadd.s32 s8, s7;
	s10 =	sshrl.u32 s10, $0x3  }
0x11: {  	s25 =	sshrl.u32 s11, $0x3;
	s11 =	sadd.s32 s31, s2;
	s12 =	sadd.s32 s12, s2  }
0x12: {  	s14 =	sadd.s32 s14, s3;
	s15 =	sadd.s32 s15, s3;
	s16 =	sadd.s32 s16, s3  }
0x13: {  	s17 =	sadd.s32 s17, s3;
	s20 =	smax.u32 s20, $0x1;
	s18 =	sadd.s32 s10, s7  }
0x14: {  	s19 =	sadd.s32 s25, s7;
	s6 =	sadd.s32 $0x20400, s8;
	s7 =	sadd.s32 $0x16600, s8  }
0x15: {  	s8 =	sadd.s32 s9, s2;
	s9 =	sadd.s32 s29, s2;
	s10 =	sadd.s32 s30, s2  }
0x16: {  	v0 =	vimm.f32 $0.0e+00;
	v1 =	vimm.f32 $1.000000000e+00;
	s25 =	simm.s32 $0x80;
	s18 =	sadd.s32 $0x34200, s18;
	s19 =	sadd.s32 $0x2A200, s19  }
.LBB2_1:
0x17: {  	[tilespmem:s4], [sflag:$0x2] =	stream.linear.gather [hbm4b:s6+s4], $0x2780, $0x38;
	[tilespmem:$0x13F00] =	vst v63  }
0x18: {  	_ =	swait.ge [sflag:s21], $0x2780  }
0x19: {  	[sflag:s21] =	ssyncset.done $0x0  }
0x1a: {  	[sflag:s21] =	ssyncadd.s32 $0xFFFFD880  }
0x1b: {  	[tilespmem:s22], [sflag:$0x2] =	stream.linear.gather [hbm4b:s7+s4], $0x2780, $0x38;
	[tilespmem:$0x13F00] =	vst v63  }
0x1c: {  	_ =	swait.ge [sflag:s21], $0x2780  }
0x1d: {  	[sflag:s21] =	ssyncset.done $0x0  }
0x1e: {  	s30 =	simm.s32 $0x100;
	s29 =	simm.s32 $0x0;
	[sflag:s21] =	ssyncadd.s32 $0xFFFFD880  }
.LBB2_2:
0x1f: {  	p0 =	sne.s32 s30, $0x7F00;
	[tilespmem:s29+$0x4F30] =	vst v0;
	s31 =	smov.u32 s30;
	s30 =	sadd.s32 $0x100, s30  }
.Ltmp0:
0x20: {  	[tilespmem:s29+$0x4F20] =	vst v0;
	(pc) =	sbr.rel @p0 .LBB2_2-.Ltmp0, $3  }
0x21: {  	[tilespmem:s29+$0x4F00] =	vst v0  }
0x22: {  	[tilespmem:s29+$0x4F10] =	vst v0;
	_ =	sdelay $0x1  }
0x23: {  	s29 =	sshra.s32 s31, $0x2  }
0x24: {  	[tilespmem:s29+$0x4F30] =	vst v0  }
0x25: {  	[tilespmem:s29+$0x4F20] =	vst v0  }
0x26: {  	[tilespmem:s29+$0x4F00] =	vst v0  }
0x27: {  	[tilespmem:s29+$0x4F10] =	vst v0  }
0x28: {  	[spmem:s8] =	stream.linear.scatter [tilespmem:s23], [sflag:$0x2], $0x2000, $0x38;
	[tilespmem:$0x13F00] =	vst v63  }
0x29: {  	_ =	swait.ge [sflag:s21], $0x2000  }
0x2a: {  	[sflag:s21] =	ssyncset.done $0x0  }
0x2b: {  	[sflag:s21] =	ssyncadd.s32 $0xFFFFE000  }
0x2c: {  	[spmem:s9] =	stream.linear.scatter [tilespmem:s23], [sflag:$0x2], $0x2000, $0x38;
	[tilespmem:$0x13F00] =	vst v63  }
0x2d: {  	_ =	swait.ge [sflag:s21], $0x2000  }
0x2e: {  	[sflag:s21] =	ssyncset.done $0x0  }
0x2f: {  	[sflag:s21] =	ssyncadd.s32 $0xFFFFE000  }
0x30: {  	[spmem:s10] =	stream.linear.scatter [tilespmem:s23], [sflag:$0x2], $0x2000, $0x38;
	[tilespmem:$0x13F00] =	vst v63  }
0x31: {  	_ =	swait.ge [sflag:s21], $0x2000  }
0x32: {  	[sflag:s21] =	ssyncset.done $0x0  }
0x33: {  	[sflag:s21] =	ssyncadd.s32 $0xFFFFE000  }
0x34: {  	[spmem:s11] =	stream.linear.scatter [tilespmem:s23], [sflag:$0x2], $0x2000, $0x38;
	[tilespmem:$0x13F00] =	vst v63  }
0x35: {  	_ =	swait.ge [sflag:s21], $0x2000  }
0x36: {  	[sflag:s21] =	ssyncset.done $0x0  }
0x37: {  	[sflag:s21] =	ssyncadd.s32 $0xFFFFE000  }
0x38: {  	[spmem:s12] =	stream.linear.scatter [tilespmem:s23], [sflag:$0x2], $0x2000, $0x38;
	[tilespmem:$0x13F00] =	vst v63  }
0x39: {  	_ =	swait.ge [sflag:s21], $0x2000  }
0x3a: {  	[sflag:s21] =	ssyncset.done $0x0  }
0x3b: {  	s29 =	simm.s32 $0x40;
	s30 =	simm.s32 $0x0;
	[sflag:s21] =	ssyncadd.s32 $0xFFFFE000  }
.LBB2_4:
0x3c: {  	p0 =	sne.s32 s29, $0x1FC0;
	[tilespmem:s30+$0x10F00] =	vst v0;
	s30 =	smov.u32 s29;
	s29 =	sadd.s32 $0x40, s29  }
.Ltmp1:
0x3d: {  	(pc) =	sbr.rel @p0 .LBB2_4-.Ltmp1, $2  }
0x3e: {  	_ =	sdelay $0x2  }
0x3f: {  	s30 =	sshra.s32 s30, $0x2  }
0x40: {  	[tilespmem:s30+$0x10F00] =	vst v0  }
0x41: {  	[spmem:s13] =	stream.linear.scatter [tilespmem:s24], [sflag:$0x2], $0x800, $0x38;
	[tilespmem:$0x13F00] =	vst v63  }
0x42: {  	_ =	swait.ge [sflag:s21], $0x800  }
0x43: {  	[sflag:s21] =	ssyncset.done $0x0  }
0x44: {  	[sflag:s21] =	ssyncadd.s32 $0xFFFFF800  }
0x45: {  	[spmem:s14] =	stream.linear.scatter [tilespmem:s24], [sflag:$0x2], $0x800, $0x38;
	[tilespmem:$0x13F00] =	vst v63  }
0x46: {  	_ =	swait.ge [sflag:s21], $0x800  }
0x47: {  	[sflag:s21] =	ssyncset.done $0x0  }
0x48: {  	[sflag:s21] =	ssyncadd.s32 $0xFFFFF800  }
0x49: {  	[spmem:s15] =	stream.linear.scatter [tilespmem:s24], [sflag:$0x2], $0x800, $0x38;
	[tilespmem:$0x13F00] =	vst v63  }
0x4a: {  	_ =	swait.ge [sflag:s21], $0x800  }
0x4b: {  	[sflag:s21] =	ssyncset.done $0x0  }
0x4c: {  	[sflag:s21] =	ssyncadd.s32 $0xFFFFF800  }
0x4d: {  	[spmem:s16] =	stream.linear.scatter [tilespmem:s24], [sflag:$0x2], $0x800, $0x38;
	[tilespmem:$0x13F00] =	vst v63  }
0x4e: {  	_ =	swait.ge [sflag:s21], $0x800  }
0x4f: {  	[sflag:s21] =	ssyncset.done $0x0  }
0x50: {  	[sflag:s21] =	ssyncadd.s32 $0xFFFFF800  }
0x51: {  	[spmem:s17] =	stream.linear.scatter [tilespmem:s24], [sflag:$0x2], $0x800, $0x38;
	[tilespmem:$0x13F00] =	vst v63  }
0x52: {  	_ =	swait.ge [sflag:s21], $0x800  }
0x53: {  	[sflag:s21] =	ssyncset.done $0x0  }
0x54: {  	s29 =	simm.s32 $0x40;
	s30 =	simm.s32 $0x0;
	[sflag:s21] =	ssyncadd.s32 $0xFFFFF800  }
.LBB2_6:
0x55: {  	p0 =	sne.s32 s29, $0x1FC0;
	[tilespmem:s30+$0x10F00] =	vst v1;
	s30 =	smov.u32 s29;
	s29 =	sadd.s32 $0x40, s29  }
.Ltmp2:
0x56: {  	(pc) =	sbr.rel @p0 .LBB2_6-.Ltmp2, $2  }
0x57: {  	_ =	sdelay $0x2  }
0x58: {  	s30 =	sshra.s32 s30, $0x2  }
0x59: {  	[tilespmem:s30+$0x10F00] =	vst v1  }
0x5a: {  	s29 =	simm.s32 $0x0;
	[bflag:$0x0] =	sbarrier.arrive $0xFFFF  }
0x5b: {  	[tilespmem:s23], [sflag:$0x1] =	stream.indirect.gather [hbm4b:s5+s25], $0x40, s29, s25, $0xb8;
	[tilespmem:$0x13F00] =	vst v63  }
0x5c: {  	_ =	swait.ge [sflag:s26], $0x2000  }
0x5d: {  	[sflag:s26] =	ssyncset.done $0x0  }
0x5e: {  	s29 =	simm.s32 $0x2780;
	[sflag:s26] =	ssyncadd.s32 $0xFFFFE000  }
0x5f: {  	[spmem:s2] =	stream.indirect.scatter.add.f32 [tilespmem:s23], [sflag:$0x2], $0x40, s29, s25, $0xb8;
	[tilespmem:$0x13F00] =	vst v63  }
0x60: {  	_ =	swait.ge [sflag:s21], $0x2000  }
0x61: {  	[sflag:s21] =	ssyncset.done $0x0  }
0x62: {  	[sflag:s21] =	ssyncadd.s32 $0xFFFFE000  }
0x63: {  	[spmem:s3] =	stream.indirect.scatter.add.f32 [tilespmem:s24], [sflag:$0x2], $0x10, s29, s25, $0xb8;
	[tilespmem:$0x13F00] =	vst v63  }
0x64: {  	_ =	swait.ge [sflag:s21], $0x800  }
0x65: {  	s30 =	simm.s32 $0x400;
	s29 =	simm.s32 $0x200;
	[sflag:s21] =	ssyncset.done $0x0  }
.LBB2_8:
0x66: {  	s31 =	sshra.s32 s29, $0x2  }
0x67: {  	[sflag:s21] =	ssyncadd.s32 $0xFFFFF800;
	s29 =	smov.u32 s30;
	s1 =	sadd.s32 $0x200, s30  }
0x68: {  	[tilespmem:s23], [sflag:$0x1] =	stream.indirect.gather [hbm4b:s5+s25], $0x40, s31, s25, $0xb8;
	[tilespmem:$0x13F00] =	vst v63  }
0x69: {  	p0 =	sne.s32 s30, $0x9C00;
	_ =	swait.ge [sflag:s26], $0x2000  }
0x6a: {  	[sflag:s26] =	ssyncset.done $0x0  }
0x6b: {  	s30 =	sadd.s32 $0x2780, s31;
	[sflag:s26] =	ssyncadd.s32 $0xFFFFE000  }
0x6c: {  	[spmem:s2] =	stream.indirect.scatter.add.f32 [tilespmem:s23], [sflag:$0x2], $0x40, s30, s25, $0xb8;
	[tilespmem:$0x13F00] =	vst v63  }
0x6d: {  	_ =	swait.ge [sflag:s21], $0x2000  }
.Ltmp3:
0x6e: {  	[sflag:s21] =	ssyncset.done $0x0;
	(pc) =	sbr.rel @p0 .LBB2_8-.Ltmp3, $4  }
0x6f: {  	[sflag:s21] =	ssyncadd.s32 $0xFFFFE000  }
0x70: {  	[spmem:s3] =	stream.indirect.scatter.add.f32 [tilespmem:s24], [sflag:$0x2], $0x10, s30, s25, $0xb8;
	[tilespmem:$0x13F00] =	vst v63  }
0x71: {  	_ =	swait.ge [sflag:s21], $0x800  }
0x72: {  	s30 =	smov.u32 s1;
	[sflag:s21] =	ssyncset.done $0x0  }
0x73: {  	s1 =	sshra.s32 s29, $0x2;
	[sflag:s21] =	ssyncadd.s32 $0xFFFFF800  }
0x74: {  	[tilespmem:s23], [sflag:$0x1] =	stream.indirect.gather [hbm4b:s5+s25], $0x40, s1, s25, $0xb8;
	[tilespmem:$0x13F00] =	vst v63  }
0x75: {  	_ =	swait.ge [sflag:s26], $0x2000  }
0x76: {  	[sflag:s26] =	ssyncset.done $0x0  }
0x77: {  	s1 =	sadd.s32 $0x2780, s1;
	[sflag:s26] =	ssyncadd.s32 $0xFFFFE000  }
0x78: {  	[spmem:s2] =	stream.indirect.scatter.add.f32 [tilespmem:s23], [sflag:$0x2], $0x40, s1, s25, $0xb8;
	[tilespmem:$0x13F00] =	vst v63  }
0x79: {  	_ =	swait.ge [sflag:s21], $0x2000  }
0x7a: {  	[sflag:s21] =	ssyncset.done $0x0  }
0x7b: {  	[sflag:s21] =	ssyncadd.s32 $0xFFFFE000  }
0x7c: {  	[spmem:s3] =	stream.indirect.scatter.add.f32 [tilespmem:s24], [sflag:$0x2], $0x10, s1, s25, $0xb8;
	[tilespmem:$0x13F00] =	vst v63  }
0x7d: {  	_ =	swait.ge [sflag:s21], $0x800  }
0x7e: {  	[sflag:s21] =	ssyncset.done $0x0  }
0x7f: {  	s29 =	sshll.u32 s0, $0x6;
	[sflag:s21] =	ssyncadd.s32 $0xFFFFF800  }
0x80: {  	s30 =	sshrl.u32 s8, $0x3;
	s1 =	sor.u32 $0x1C02, s29;
	[bflag:$0x0] =	sbarrier.arrive $0xFFFF  }
0x81: {  	[hbm:s18], [sflag:s1] =	dma.local [spmem:s30], $0x1400  }
0x82: {  	s28 =	sadd.s32 $0x1, s28;
	_ =	swait.ge [sflag:s21], $0x1400  }
0x83: {  	p0 =	sne.s32 s28, s20;
	[sflag:s21] =	ssyncset.done $0x0  }
.Ltmp4:
0x84: {  	s31 =	sshrl.u32 s13, $0x3;
	[sflag:s21] =	ssyncadd.s32 $0xFFFFEC00;
	(pc) =	sbr.rel @p0 .LBB2_1-.Ltmp4, $4  }
0x85: {  	[hbm:s19], [sflag:s1] =	dma.local [spmem:s31], $0x500  }
0x86: {  	_ =	swait.ge [sflag:s21], $0x500  }
0x87: {  	[sflag:s21] =	ssyncset.done $0x0  }
0x88: {  	[sflag:s21] =	ssyncadd.s32 $0xFFFFFB00  }
0x89: {  	_ =	sfence.sel $0x180000  }
0x8a: {  	[bflag:$0x0] =	sbarrier.arrive $0xFFFF  }
0x8b: {  	_ =	strace $0x90000047  }
0x8c: {  	[bflag:$0x2] =	sbarrier.arrive $0xFFFF  }
0x8d: {  	p0 =	sne.s32 s0, $0x0;
	s0 =	rddreg [dreg:$0x3]  }
0x8e: {  	s0 =	sadd.s32 @!p0 $0x100000, s0  }
0x8f: {  	[sflag:s0] =	ssyncadd.tile.s32 @!p0 $0x1;
	_ =	shalt  }
.Lfunc_end2:
_tile_overlayer_lowered:
.L_overlay_start_2:
0x90: {  	(tag) =	ssettag $0x2  }
0x91: {  	s0 =	rddreg [dreg:$0x0];
	s2 =	stileid.u32  }
0x92: {  	s1 =	rddreg [dreg:$0x1];
	p0 =	sne.s32 s2, $0x0  }
0x93: {  	s3 =	rddreg [dreg:$0x2];
	[bflag:$0x3] =	sbarrier.arrive $0xFFFF;
	s2 =	simm.s32 @!p0 $0x1C02  }
0x94: {  	[timem:s3], [sflag:s2] =	dma.local @!p0 [hbm:s0], s1  }
0x95: {  	s0 =	simm.s32 @!p0 $0x2  }
0x96: {  	_ =	swait.ge @!p0 [sflag:s0], s1  }
0x97: {  	s1 =	ssub.s32 @!p0 $0x0, s1;
	[sflag:s0] =	ssyncset.done @!p0 $0x0  }
0x98: {  	[sflag:s0] =	ssyncadd.s32 @!p0 s1  }
0x99: {  	[bflag:$0x3] =	sbarrier.arrive $0xFFFF  }
0x9a: {  	_ =	shalt  }

</sc_bundles>
